<compile_context>
chip_gen: v7x
topology: tpu7x:2x2x1
jax: 0.10.2.dev20260603
libtpu: 0.0.44.dev20260713+nightly
codegen_flags: <defaults>
</compile_context>

<pallas_src>
import jax
import jax.numpy as jnp
from jax import lax
from jax.experimental import pallas as pl
from jax.experimental.pallas import tpu as pltpu
from jax.experimental.pallas import tpu_sc as plsc

V = 2048
E = 65536
C = 128
CE = 4
H = 128

NW = 32
RPW = V // NW
CHUNK = 128
NT = C // 16


def _proj_body(nf_ref, w_ref, b_ref, a_ref, b2_ref):
    nf = nf_ref[...]
    w1 = w_ref[0:C, :]
    w2 = w_ref[C:2 * C, :]
    a_ref[...] = (
        jnp.dot(nf, w1 - w2, preferred_element_type=jnp.float32) + b_ref[...]
    )
    b2_ref[...] = jnp.dot(nf, w2, preferred_element_type=jnp.float32)


_proj = pl.pallas_call(
    _proj_body,
    out_shape=(
        jax.ShapeDtypeStruct((V, C), jnp.float32),
        jax.ShapeDtypeStruct((V, C), jnp.float32),
    ),
)


_sc_mesh = plsc.VectorSubcoreMesh(
    core_axis_name="c", subcore_axis_name="s", num_cores=2, num_subcores=16)


_SC_SCRATCH = [
    pltpu.VMEM((48,), jnp.int32),
    pltpu.VMEM((CHUNK + 24,), jnp.int32),
    pltpu.VMEM((CHUNK + 24,), jnp.int32),
    pltpu.VMEM((CHUNK,), jnp.int32),
    pltpu.VMEM((CHUNK,), jnp.int32),
    pltpu.VMEM((CHUNK, C), jnp.float32),
    pltpu.VMEM((CHUNK, 512), jnp.float32),
    pltpu.VMEM((RPW, C), jnp.float32),
    pltpu.VMEM((CE, C), jnp.float32),
    pltpu.VMEM((RPW, C), jnp.float32),
    pltpu.SemaphoreType.DMA,
    pltpu.SemaphoreType.DMA,
]


def _sc_body(rs_hbm, src_hbm, dst_hbm, a_hbm, b2_hbm, e4_hbm, w3_hbm,
                    out_hbm, rs_v, srcb, dstb, idxb, idxe, brows, erows,
                    arows, w3v, acc, sem, sem2):
    wid = lax.axis_index("s") * 2 + lax.axis_index("c")
    r0 = wid * RPW

    pltpu.sync_copy(rs_hbm, rs_v)
    pltpu.sync_copy(a_hbm.at[pl.ds(r0, RPW)], arows)
    pltpu.sync_copy(w3_hbm, w3v)
    w3r = [[w3v[k, pl.ds(t * 16, 16)] for t in range(NT)] for k in range(CE)]

    neg = jnp.full((16,), -jnp.inf, dtype=jnp.float32)

    def init_body(i, _):
        r = i // NT
        t = i % NT
        acc[r, pl.ds(t * 16, 16)] = neg
        return 0

    lax.fori_loop(0, RPW * NT, init_body, 0)

    s = rs_v[pl.ds(wid, 16)][0]
    cnt = rs_v[pl.ds(wid + 1, 16)][0] - s
    off = s % 8
    sa = s - off
    nchunks = (cnt + CHUNK - 1) // CHUNK

    def chunk_body(k, _):
        base = pl.multiple_of(sa + k * CHUNK, 8)
        cps = pltpu.async_copy(src_hbm.at[pl.ds(base, CHUNK + 8)],
                               srcb.at[pl.ds(0, CHUNK + 8)], sem)
        cpd = pltpu.async_copy(dst_hbm.at[pl.ds(base, CHUNK + 8)],
                               dstb.at[pl.ds(0, CHUNK + 8)], sem2)
        cps.wait()
        cpd.wait()
        lanes = jnp.arange(16, dtype=jnp.int32)
        for t in range(CHUNK // 16):
            ii = lanes + (off + t * 16)
            sv = plsc.load_gather(srcb, [ii])
            dv = plsc.load_gather(dstb, [ii])
            idxb[pl.ds(t * 16, 16)] = dv
            idxe[pl.ds(t * 16, 16)] = sv * 16 + (dv >> 7)
        cpb = pltpu.async_copy(b2_hbm.at[idxb], brows, sem)
        cpe = pltpu.async_copy(e4_hbm.at[idxe], erows, sem2)
        cpb.wait()
        cpe.wait()
        n = jnp.minimum(cnt - k * CHUNK, CHUNK)

        def run_body(j):
            r = srcb[pl.ds(off + j, 16)][0]

            def inner_cond(ist):
                jj = ist[0]
                return (jj < n) & (srcb[pl.ds(off + jj, 16)][0] == r)

            def inner_body(ist):
                jj = ist[0]
                accs = ist[1:]
                ci = dstb[pl.ds(off + jj, 16)][0] & 127
                jf = jnp.full((16,), jj, dtype=jnp.int32)
                e0 = plsc.load_gather(
                    erows, [jf, jnp.full((16,), 0, jnp.int32) + ci])
                e1 = plsc.load_gather(
                    erows, [jf, jnp.full((16,), 128, jnp.int32) + ci])
                e2 = plsc.load_gather(
                    erows, [jf, jnp.full((16,), 256, jnp.int32) + ci])
                e3 = plsc.load_gather(
                    erows, [jf, jnp.full((16,), 384, jnp.int32) + ci])
                new = []
                for t in range(NT):
                    cs = pl.ds(t * 16, 16)
                    v = brows[jj, cs] + e0 * w3r[0][t]
                    v = v + e1 * w3r[1][t] + e2 * w3r[2][t] + e3 * w3r[3][t]
                    new.append(jnp.maximum(accs[t], v))
                return (jj + 1,) + tuple(new)

            rr = r - r0
            accs0 = tuple(acc[rr, pl.ds(t * 16, 16)] for t in range(NT))
            out = lax.while_loop(inner_cond, inner_body, (j,) + accs0)
            for t in range(NT):
                acc[rr, pl.ds(t * 16, 16)] = out[1 + t]
            return out[0]

        lax.while_loop(lambda j: j < n, run_body, jnp.int32(0))
        return 0

    lax.fori_loop(0, nchunks, chunk_body, 0)

    def fin_body(i, _):
        r = i // NT
        t = i % NT
        cs = pl.ds(t * 16, 16)
        v = acc[r, cs]
        res = jnp.maximum(arows[r, cs] + v, 0.0)
        acc[r, cs] = jnp.where(v == neg, v, res)
        return 0

    lax.fori_loop(0, RPW * NT, fin_body, 0)

    pltpu.sync_copy(acc, out_hbm.at[pl.ds(r0, RPW)])


_sc_edge_kernel = pl.kernel(
    _sc_body,
    out_type=jax.ShapeDtypeStruct((V, C), jnp.float32),
    mesh=_sc_mesh,
    compiler_params=pltpu.CompilerParams(
        needs_layout_passes=False, use_tc_tiling_on_sc=False),
    scratch_types=_SC_SCRATCH,
)


def kernel(adj_src, adj_dst, adj_values, node_features, edge_attributes, W, b):
    del adj_values
    a_proj, b_proj = _proj(node_features, W, b.reshape(1, C))
    rs = jnp.searchsorted(
        adj_src, jnp.arange(0, V + 1, RPW, dtype=jnp.int32)
    ).astype(jnp.int32)
    rs = jnp.concatenate([rs, jnp.full((15,), E, dtype=jnp.int32)])
    pad = jnp.zeros((CHUNK + 8,), dtype=jnp.int32)
    src_p = jnp.concatenate([adj_src, pad])
    dst_p = jnp.concatenate([adj_dst, pad])
    e4 = edge_attributes.reshape(1, V, 16, 128, CE).transpose(
        0, 1, 2, 4, 3).reshape(V * 16, CE * 128)
    w3 = W[2 * C:, :]
    return _sc_edge_kernel(rs, src_p, dst_p, a_proj, b_proj, e4, w3)

# --- scband reference (transcript-rebuilt; emitter-appended) ---
"""Pipeline reference for scband-edge-conv-e-8564164788721 (READ-ONLY COPY).

The authoritative reference and input builder live on the scoring server;
editing this copy changes nothing except your own understanding.
"""

import jax, jax.numpy as jnp
import numpy as np

V = 2048
E = 65536
C = 128
CE = 4
H = 128

def setup_inputs(seed: int = 0) -> dict:
    key = jax.random.key(seed)
    k1, k2, k3, k4, k5, k6 = jax.random.split(key, 6)
    node_features = jax.random.normal(k1, (V, C), dtype=jnp.float32)
    # SparseTensor indices come out lexicographically sorted, so src is sorted
    adj_src = jnp.sort(jax.random.randint(k2, (E,), 0, V, dtype=jnp.int32))
    adj_dst = jax.random.randint(k3, (E,), 0, V, dtype=jnp.int32)
    adj_values = jax.random.uniform(k4, (E,), dtype=jnp.float32)
    edge_attributes = jax.random.normal(k5, (1, V, V, CE), dtype=jnp.float32)
    # h_theta: single Dense(H, relu) over concat([x_v, x_vp - x_v, e]) of width 2*C + CE
    W = jax.random.normal(k6, (2 * C + CE, H), dtype=jnp.float32) * 0.05
    b = jnp.zeros((H,), dtype=jnp.float32)
    return {"adj_src": adj_src, "adj_dst": adj_dst, "adj_values": adj_values,
            "node_features": node_features, "edge_attributes": edge_attributes,
            "W": W, "b": b}

def reference(adj_src, adj_dst, adj_values, node_features, edge_attributes, W, b):
    V_ = node_features.shape[0]
    # gather endpoint features (adjacency.indices[:,0] / [:,1])
    x_v = jnp.take(node_features, adj_src, axis=0)
    x_vp = jnp.take(node_features, adj_dst, axis=0)
    # edge attribute indices: batch = src // V, row = src % V, col = dst % V
    b_idx = adj_src // V_
    r_idx = adj_src % V_
    c_idx = adj_dst % V_
    e = edge_attributes[b_idx, r_idx, c_idx]  # gather_nd
    # h_theta(concat([x_v, x_vp - x_v, e], -1))
    h = jnp.concatenate([x_v, x_vp - x_v, e], axis=-1)
    out = jax.nn.relu(h @ W + b)
    # reduction == 'max' -> segment_max over src (sorted)
    feats = jax.ops.segment_max(out, adj_src, num_segments=V_)
    return feats

if __name__ == "__main__":
    import jax
    _d = setup_inputs()
    print(jax.jit(kernel)(*tuple(_d.values())))

</pallas_src>

<mosaic_0001>
#map = affine_map<(d0, d1) -> (0)>
#map1 = affine_map<(d0, d1) -> (0, 0)>
module attributes {stable_mosaic.version = 14 : i64} {
  func.func @_sc_body(%arg0: i32, %arg1: i32, %arg2: memref<48xi32, #tpu.memory_space<hbm>>, %arg3: memref<65672xi32, #tpu.memory_space<hbm>>, %arg4: memref<65672xi32, #tpu.memory_space<hbm>>, %arg5: memref<2048x128xf32, #tpu.memory_space<hbm>>, %arg6: memref<2048x128xf32, #tpu.memory_space<hbm>>, %arg7: memref<32768x512xf32, #tpu.memory_space<hbm>>, %arg8: memref<4x128xf32, #tpu.memory_space<hbm>>, %arg9: memref<2048x128xf32, #tpu.memory_space<hbm>>, %arg10: memref<48xi32, #tpu.memory_space<vmem>>, %arg11: memref<152xi32, #tpu.memory_space<vmem>>, %arg12: memref<152xi32, #tpu.memory_space<vmem>>, %arg13: memref<128xi32, #tpu.memory_space<vmem>>, %arg14: memref<128xi32, #tpu.memory_space<vmem>>, %arg15: memref<128x128xf32, #tpu.memory_space<vmem>>, %arg16: memref<128x512xf32, #tpu.memory_space<vmem>>, %arg17: memref<64x128xf32, #tpu.memory_space<vmem>>, %arg18: memref<4x128xf32, #tpu.memory_space<vmem>>, %arg19: memref<64x128xf32, #tpu.memory_space<vmem>>, %arg20: memref<!tpu.dma_semaphore, #tpu.memory_space<semaphore_mem>>, %arg21: memref<!tpu.dma_semaphore, #tpu.memory_space<semaphore_mem>>) attributes {dimension_semantics = [#tpu.dimension_semantics<core_parallel>, #tpu.dimension_semantics<subcore_parallel>], iteration_bounds = array<i64: 2, 16>, scalar_prefetch = 0 : i64, scratch_operands = 12 : i64, tpu.core_type = #tpu.core_type<sc_vector_subcore>, window_params = [{transform_indices = #map}, {transform_indices = #map}, {transform_indices = #map}, {transform_indices = #map1}, {transform_indices = #map1}, {transform_indices = #map1}, {transform_indices = #map1}, {transform_indices = #map1}]} {
    %mul3A = arith.constant 2 : i32
    %mul3A_0 = arith.muli %arg1, %mul3A : i32
    %add3A = arith.addi %mul3A_0, %arg0 : i32
    %mul3A_1 = arith.constant 64 : i32
    %mul3A_2 = arith.muli %add3A, %mul3A_1 : i32
    "tpu.region"() ({
      %run_scoped3A = tpu.sem_alloc : memref<!tpu.dma_semaphore, #tpu.memory_space<semaphore_mem>>
      tpu.enqueue_dma source(%arg2 : memref<48xi32, #tpu.memory_space<hbm>>) target(%arg10 : memref<48xi32, #tpu.memory_space<vmem>>) target_semaphore(%run_scoped3A : memref<!tpu.dma_semaphore, #tpu.memory_space<semaphore_mem>>)
      tpu.wait_dma2 semaphore(%run_scoped3A : memref<!tpu.dma_semaphore, #tpu.memory_space<semaphore_mem>>) src(%arg2 : memref<48xi32, #tpu.memory_space<hbm>>) dst(%arg10 : memref<48xi32, #tpu.memory_space<vmem>>)
      tpu.yield
    }) : () -> ()
    "tpu.region"() ({
      %run_scoped3A = tpu.sem_alloc : memref<!tpu.dma_semaphore, #tpu.memory_space<semaphore_mem>>
      %dma_start3A = arith.constant 0 : i32
      %dma_start3A_199 = tpu.memref_slice %arg5[%mul3A_2, %dma_start3A] : memref<2048x128xf32, #tpu.memory_space<hbm>> -> memref<64x128xf32, #tpu.memory_space<hbm>>
      %dma_start3A_200 = arith.constant 0 : i32
      %dma_start3A_201 = tpu.memref_slice %arg5[%mul3A_2, %dma_start3A_200] : memref<2048x128xf32, #tpu.memory_space<hbm>> -> memref<64x128xf32, #tpu.memory_space<hbm>>
      tpu.enqueue_dma source(%dma_start3A_201 : memref<64x128xf32, #tpu.memory_space<hbm>>) target(%arg17 : memref<64x128xf32, #tpu.memory_space<vmem>>) target_semaphore(%run_scoped3A : memref<!tpu.dma_semaphore, #tpu.memory_space<semaphore_mem>>)
      %dma_wait3A = arith.constant 0 : i32
      %dma_wait3A_202 = tpu.memref_slice %arg5[%mul3A_2, %dma_wait3A] : memref<2048x128xf32, #tpu.memory_space<hbm>> -> memref<64x128xf32, #tpu.memory_space<hbm>>
      %dma_wait3A_203 = arith.constant 0 : i32
      %dma_wait3A_204 = tpu.memref_slice %arg5[%mul3A_2, %dma_wait3A_203] : memref<2048x128xf32, #tpu.memory_space<hbm>> -> memref<64x128xf32, #tpu.memory_space<hbm>>
      tpu.wait_dma2 semaphore(%run_scoped3A : memref<!tpu.dma_semaphore, #tpu.memory_space<semaphore_mem>>) src(%dma_wait3A_204 : memref<64x128xf32, #tpu.memory_space<hbm>>) dst(%arg17 : memref<64x128xf32, #tpu.memory_space<vmem>>)
      tpu.yield
    }) : () -> ()
    "tpu.region"() ({
      %run_scoped3A = tpu.sem_alloc : memref<!tpu.dma_semaphore, #tpu.memory_space<semaphore_mem>>
      tpu.enqueue_dma source(%arg8 : memref<4x128xf32, #tpu.memory_space<hbm>>) target(%arg18 : memref<4x128xf32, #tpu.memory_space<vmem>>) target_semaphore(%run_scoped3A : memref<!tpu.dma_semaphore, #tpu.memory_space<semaphore_mem>>)
      tpu.wait_dma2 semaphore(%run_scoped3A : memref<!tpu.dma_semaphore, #tpu.memory_space<semaphore_mem>>) src(%arg8 : memref<4x128xf32, #tpu.memory_space<hbm>>) dst(%arg18 : memref<4x128xf32, #tpu.memory_space<vmem>>)
      tpu.yield
    }) : () -> ()
    %get3A = arith.constant 0 : i32
    %get3A_3 = arith.index_cast %get3A : i32 to index
    %get3A_4 = arith.constant 0 : index
    %get3A_5 = tpu.vector_load %arg18[%get3A_3, %get3A_4] {strides = array<i32>} : memref<4x128xf32, #tpu.memory_space<vmem>>, vector<16xf32>,
    %get3A_6 = arith.constant 0 : i32
    %get3A_7 = arith.index_cast %get3A_6 : i32 to index
    %get3A_8 = arith.constant 16 : index
    %get3A_9 = tpu.vector_load %arg18[%get3A_7, %get3A_8] {strides = array<i32>} : memref<4x128xf32, #tpu.memory_space<vmem>>, vector<16xf32>,
    %get3A_10 = arith.constant 0 : i32
    %get3A_11 = arith.index_cast %get3A_10 : i32 to index
    %get3A_12 = arith.constant 32 : index
    %get3A_13 = tpu.vector_load %arg18[%get3A_11, %get3A_12] {strides = array<i32>} : memref<4x128xf32, #tpu.memory_space<vmem>>, vector<16xf32>,
    %get3A_14 = arith.constant 0 : i32
    %get3A_15 = arith.index_cast %get3A_14 : i32 to index
    %get3A_16 = arith.constant 48 : index
    %get3A_17 = tpu.vector_load %arg18[%get3A_15, %get3A_16] {strides = array<i32>} : memref<4x128xf32, #tpu.memory_space<vmem>>, vector<16xf32>,
    %get3A_18 = arith.constant 0 : i32
    %get3A_19 = arith.index_cast %get3A_18 : i32 to index
    %get3A_20 = arith.constant 64 : index
    %get3A_21 = tpu.vector_load %arg18[%get3A_19, %get3A_20] {strides = array<i32>} : memref<4x128xf32, #tpu.memory_space<vmem>>, vector<16xf32>,
    %get3A_22 = arith.constant 0 : i32
    %get3A_23 = arith.index_cast %get3A_22 : i32 to index
    %get3A_24 = arith.constant 80 : index
    %get3A_25 = tpu.vector_load %arg18[%get3A_23, %get3A_24] {strides = array<i32>} : memref<4x128xf32, #tpu.memory_space<vmem>>, vector<16xf32>,
    %get3A_26 = arith.constant 0 : i32
    %get3A_27 = arith.index_cast %get3A_26 : i32 to index
    %get3A_28 = arith.constant 96 : index
    %get3A_29 = tpu.vector_load %arg18[%get3A_27, %get3A_28] {strides = array<i32>} : memref<4x128xf32, #tpu.memory_space<vmem>>, vector<16xf32>,
    %get3A_30 = arith.constant 0 : i32
    %get3A_31 = arith.index_cast %get3A_30 : i32 to index
    %get3A_32 = arith.constant 112 : index
    %get3A_33 = tpu.vector_load %arg18[%get3A_31, %get3A_32] {strides = array<i32>} : memref<4x128xf32, #tpu.memory_space<vmem>>, vector<16xf32>,
    %get3A_34 = arith.constant 1 : i32
    %get3A_35 = arith.index_cast %get3A_34 : i32 to index
    %get3A_36 = arith.constant 0 : index
    %get3A_37 = tpu.vector_load %arg18[%get3A_35, %get3A_36] {strides = array<i32>} : memref<4x128xf32, #tpu.memory_space<vmem>>, vector<16xf32>,
    %get3A_38 = arith.constant 1 : i32
    %get3A_39 = arith.index_cast %get3A_38 : i32 to index
    %get3A_40 = arith.constant 16 : index
    %get3A_41 = tpu.vector_load %arg18[%get3A_39, %get3A_40] {strides = array<i32>} : memref<4x128xf32, #tpu.memory_space<vmem>>, vector<16xf32>,
    %get3A_42 = arith.constant 1 : i32
    %get3A_43 = arith.index_cast %get3A_42 : i32 to index
    %get3A_44 = arith.constant 32 : index
    %get3A_45 = tpu.vector_load %arg18[%get3A_43, %get3A_44] {strides = array<i32>} : memref<4x128xf32, #tpu.memory_space<vmem>>, vector<16xf32>,
    %get3A_46 = arith.constant 1 : i32
    %get3A_47 = arith.index_cast %get3A_46 : i32 to index
    %get3A_48 = arith.constant 48 : index
    %get3A_49 = tpu.vector_load %arg18[%get3A_47, %get3A_48] {strides = array<i32>} : memref<4x128xf32, #tpu.memory_space<vmem>>, vector<16xf32>,
    %get3A_50 = arith.constant 1 : i32
    %get3A_51 = arith.index_cast %get3A_50 : i32 to index
    %get3A_52 = arith.constant 64 : index
    %get3A_53 = tpu.vector_load %arg18[%get3A_51, %get3A_52] {strides = array<i32>} : memref<4x128xf32, #tpu.memory_space<vmem>>, vector<16xf32>,
    %get3A_54 = arith.constant 1 : i32
    %get3A_55 = arith.index_cast %get3A_54 : i32 to index
    %get3A_56 = arith.constant 80 : index
    %get3A_57 = tpu.vector_load %arg18[%get3A_55, %get3A_56] {strides = array<i32>} : memref<4x128xf32, #tpu.memory_space<vmem>>, vector<16xf32>,
    %get3A_58 = arith.constant 1 : i32
    %get3A_59 = arith.index_cast %get3A_58 : i32 to index
    %get3A_60 = arith.constant 96 : index
    %get3A_61 = tpu.vector_load %arg18[%get3A_59, %get3A_60] {strides = array<i32>} : memref<4x128xf32, #tpu.memory_space<vmem>>, vector<16xf32>,
    %get3A_62 = arith.constant 1 : i32
    %get3A_63 = arith.index_cast %get3A_62 : i32 to index
    %get3A_64 = arith.constant 112 : index
    %get3A_65 = tpu.vector_load %arg18[%get3A_63, %get3A_64] {strides = array<i32>} : memref<4x128xf32, #tpu.memory_space<vmem>>, vector<16xf32>,
    %get3A_66 = arith.constant 2 : i32
    %get3A_67 = arith.index_cast %get3A_66 : i32 to index
    %get3A_68 = arith.constant 0 : index
    %get3A_69 = tpu.vector_load %arg18[%get3A_67, %get3A_68] {strides = array<i32>} : memref<4x128xf32, #tpu.memory_space<vmem>>, vector<16xf32>,
    %get3A_70 = arith.constant 2 : i32
    %get3A_71 = arith.index_cast %get3A_70 : i32 to index
    %get3A_72 = arith.constant 16 : index
    %get3A_73 = tpu.vector_load %arg18[%get3A_71, %get3A_72] {strides = array<i32>} : memref<4x128xf32, #tpu.memory_space<vmem>>, vector<16xf32>,
    %get3A_74 = arith.constant 2 : i32
    %get3A_75 = arith.index_cast %get3A_74 : i32 to index
    %get3A_76 = arith.constant 32 : index
    %get3A_77 = tpu.vector_load %arg18[%get3A_75, %get3A_76] {strides = array<i32>} : memref<4x128xf32, #tpu.memory_space<vmem>>, vector<16xf32>,
    %get3A_78 = arith.constant 2 : i32
    %get3A_79 = arith.index_cast %get3A_78 : i32 to index
    %get3A_80 = arith.constant 48 : index
    %get3A_81 = tpu.vector_load %arg18[%get3A_79, %get3A_80] {strides = array<i32>} : memref<4x128xf32, #tpu.memory_space<vmem>>, vector<16xf32>,
    %get3A_82 = arith.constant 2 : i32
    %get3A_83 = arith.index_cast %get3A_82 : i32 to index
    %get3A_84 = arith.constant 64 : index
    %get3A_85 = tpu.vector_load %arg18[%get3A_83, %get3A_84] {strides = array<i32>} : memref<4x128xf32, #tpu.memory_space<vmem>>, vector<16xf32>,
    %get3A_86 = arith.constant 2 : i32
    %get3A_87 = arith.index_cast %get3A_86 : i32 to index
    %get3A_88 = arith.constant 80 : index
    %get3A_89 = tpu.vector_load %arg18[%get3A_87, %get3A_88] {strides = array<i32>} : memref<4x128xf32, #tpu.memory_space<vmem>>, vector<16xf32>,
    %get3A_90 = arith.constant 2 : i32
    %get3A_91 = arith.index_cast %get3A_90 : i32 to index
    %get3A_92 = arith.constant 96 : index
    %get3A_93 = tpu.vector_load %arg18[%get3A_91, %get3A_92] {strides = array<i32>} : memref<4x128xf32, #tpu.memory_space<vmem>>, vector<16xf32>,
    %get3A_94 = arith.constant 2 : i32
    %get3A_95 = arith.index_cast %get3A_94 : i32 to index
    %get3A_96 = arith.constant 112 : index
    %get3A_97 = tpu.vector_load %arg18[%get3A_95, %get3A_96] {strides = array<i32>} : memref<4x128xf32, #tpu.memory_space<vmem>>, vector<16xf32>,
    %get3A_98 = arith.constant 3 : i32
    %get3A_99 = arith.index_cast %get3A_98 : i32 to index
    %get3A_100 = arith.constant 0 : index
    %get3A_101 = tpu.vector_load %arg18[%get3A_99, %get3A_100] {strides = array<i32>} : memref<4x128xf32, #tpu.memory_space<vmem>>, vector<16xf32>,
    %get3A_102 = arith.constant 3 : i32
    %get3A_103 = arith.index_cast %get3A_102 : i32 to index
    %get3A_104 = arith.constant 16 : index
    %get3A_105 = tpu.vector_load %arg18[%get3A_103, %get3A_104] {strides = array<i32>} : memref<4x128xf32, #tpu.memory_space<vmem>>, vector<16xf32>,
    %get3A_106 = arith.constant 3 : i32
    %get3A_107 = arith.index_cast %get3A_106 : i32 to index
    %get3A_108 = arith.constant 32 : index
    %get3A_109 = tpu.vector_load %arg18[%get3A_107, %get3A_108] {strides = array<i32>} : memref<4x128xf32, #tpu.memory_space<vmem>>, vector<16xf32>,
    %get3A_110 = arith.constant 3 : i32
    %get3A_111 = arith.index_cast %get3A_110 : i32 to index
    %get3A_112 = arith.constant 48 : index
    %get3A_113 = tpu.vector_load %arg18[%get3A_111, %get3A_112] {strides = array<i32>} : memref<4x128xf32, #tpu.memory_space<vmem>>, vector<16xf32>,
    %get3A_114 = arith.constant 3 : i32
    %get3A_115 = arith.index_cast %get3A_114 : i32 to index
    %get3A_116 = arith.constant 64 : index
    %get3A_117 = tpu.vector_load %arg18[%get3A_115, %get3A_116] {strides = array<i32>} : memref<4x128xf32, #tpu.memory_space<vmem>>, vector<16xf32>,
    %get3A_118 = arith.constant 3 : i32
    %get3A_119 = arith.index_cast %get3A_118 : i32 to index
    %get3A_120 = arith.constant 80 : index
    %get3A_121 = tpu.vector_load %arg18[%get3A_119, %get3A_120] {strides = array<i32>} : memref<4x128xf32, #tpu.memory_space<vmem>>, vector<16xf32>,
    %get3A_122 = arith.constant 3 : i32
    %get3A_123 = arith.index_cast %get3A_122 : i32 to index
    %get3A_124 = arith.constant 96 : index
    %get3A_125 = tpu.vector_load %arg18[%get3A_123, %get3A_124] {strides = array<i32>} : memref<4x128xf32, #tpu.memory_space<vmem>>, vector<16xf32>,
    %get3A_126 = arith.constant 3 : i32
    %get3A_127 = arith.index_cast %get3A_126 : i32 to index
    %get3A_128 = arith.constant 112 : index
    %get3A_129 = tpu.vector_load %arg18[%get3A_127, %get3A_128] {strides = array<i32>} : memref<4x128xf32, #tpu.memory_space<vmem>>, vector<16xf32>,
    %broadcast_in_dim3A = arith.constant 0xFF800000 : f32
    %broadcast_in_dim3A_130 = vector.broadcast %broadcast_in_dim3A : f32 to vector<16xf32>
    %scan3A = arith.constant 0 : i32
    %scan3A_131 = arith.constant 0 : i32
    %scan3A_132 = arith.constant 512 : i32
    %scan3A_133 = arith.addi %scan3A_131, %scan3A_132 : i32
    %scan3A_134 = arith.constant 1 : i32
    %scan3A_135 = scf.for %scan3A_199 = %scan3A_131 to %scan3A_133 step %scan3A_134 iter_args(%scan3A_200 = %scan3A) -> (i32)  : i32 {
      %jit3A_201 = arith.constant 8 : i32
      %div3A_202 = arith.divsi %scan3A_199, %jit3A_201 : i32
      %sign3A_203 = arith.constant 0 : i32
      %sign3A_204 = arith.cmpi sgt, %scan3A_199, %sign3A_203 : i32
      %sign3A_205 = arith.extui %sign3A_204 : i1 to i32
      %sign3A_206 = arith.constant 0 : i32
      %sign3A_207 = arith.cmpi slt, %scan3A_199, %sign3A_206 : i32
      %sign3A_208 = arith.extui %sign3A_207 : i1 to i32
      %sign3A_209 = arith.subi %sign3A_205, %sign3A_208 : i32
      %sign3A_210 = arith.constant 0 : i32
      %sign3A_211 = arith.cmpi sgt, %jit3A_201, %sign3A_210 : i32
      %sign3A_212 = arith.extui %sign3A_211 : i1 to i32
      %sign3A_213 = arith.constant 0 : i32
      %sign3A_214 = arith.cmpi slt, %jit3A_201, %sign3A_213 : i32
      %sign3A_215 = arith.extui %sign3A_214 : i1 to i32
      %sign3A_216 = arith.subi %sign3A_212, %sign3A_215 : i32
      %ne3A_217 = arith.cmpi ne, %sign3A_209, %sign3A_216 : i32
      %rem3A_218 = arith.remsi %scan3A_199, %jit3A_201 : i32
      %ne3A_219 = arith.constant 0 : i32
      %ne3A_220 = arith.cmpi ne, %rem3A_218, %ne3A_219 : i32
      %and3A_221 = arith.andi %ne3A_217, %ne3A_220 : i1
      %sub3A_222 = arith.constant 1 : i32
      %sub3A_223 = arith.subi %div3A_202, %sub3A_222 : i32
      %select_n3A_224 = arith.select %and3A_221, %sub3A_223, %div3A_202 : i32
      %jit3A_225 = arith.constant 8 : i32
      %eq3A_226 = arith.constant 0 : i32
      %eq3A_227 = arith.cmpi eq, %jit3A_225, %eq3A_226 : i32
      %jit3A_228 = arith.constant 1 : i32
      %select_n3A_229 = arith.select %eq3A_227, %jit3A_228, %jit3A_225 : i32
      %rem3A_230 = arith.remsi %scan3A_199, %select_n3A_229 : i32
      %ne3A_231 = arith.constant 0 : i32
      %ne3A_232 = arith.cmpi ne, %rem3A_230, %ne3A_231 : i32
      %lt3A_233 = arith.constant 0 : i32
      %lt3A_234 = arith.cmpi slt, %rem3A_230, %lt3A_233 : i32
      %lt3A_235 = arith.constant 0 : i32
      %lt3A_236 = arith.cmpi slt, %select_n3A_229, %lt3A_235 : i32
      %ne3A_237 = arith.xori %lt3A_234, %lt3A_236 : i1
      %and3A_238 = arith.andi %ne3A_237, %ne3A_232 : i1
      %add3A_239 = arith.addi %rem3A_230, %select_n3A_229 : i32
      %select_n3A_240 = arith.select %and3A_238, %add3A_239, %rem3A_230 : i32
      %mul3A_241 = arith.constant 16 : i32
      %mul3A_242 = arith.muli %select_n3A_240, %mul3A_241 : i32
      %swap3A = arith.index_cast %select_n3A_224 : i32 to index
      %swap3A_243 = arith.index_cast %mul3A_242 : i32 to index
      %swap3A_244 = tpu.vector_load %arg19[%swap3A, %swap3A_243] {strides = array<i32>} : memref<64x128xf32, #tpu.memory_space<vmem>>, vector<16xf32>,
      tpu.vector_store %arg19[%swap3A, %swap3A_243], %broadcast_in_dim3A_130 {strides = array<i32>} : memref<64x128xf32, #tpu.memory_space<vmem>>, vector<16xf32>,
      %scan3A_245 = arith.constant 0 : i32
      scf.yield %scan3A_245 : i32
    }
    %scan3A_136 = arith.constant 512 : i32
    %get3A_137 = arith.index_cast %add3A : i32 to index
    %get3A_138 = tpu.vector_load %arg10[%get3A_137] {strides = array<i32>} : memref<48xi32, #tpu.memory_space<vmem>>, vector<16xi32>,
    %slice3A = vector.extract_strided_slice %get3A_138 {offsets = [0], sizes = [1], strides = [1]} : vector<16xi32> to vector<1xi32>
    %squeeze3A = vector.extract %slice3A[0] : i32 from vector<1xi32>
    %add3A_139 = arith.constant 1 : i32
    %add3A_140 = arith.addi %add3A, %add3A_139 : i32
    %get3A_141 = arith.index_cast %add3A_140 : i32 to index
    %get3A_142 = tpu.vector_load %arg10[%get3A_141] {strides = array<i32>} : memref<48xi32, #tpu.memory_space<vmem>>, vector<16xi32>,
    %slice3A_143 = vector.extract_strided_slice %get3A_142 {offsets = [0], sizes = [1], strides = [1]} : vector<16xi32> to vector<1xi32>
    %squeeze3A_144 = vector.extract %slice3A_143[0] : i32 from vector<1xi32>
    %sub3A = arith.subi %squeeze3A_144, %squeeze3A : i32
    %jit3A = arith.constant 8 : i32
    %eq3A = arith.constant 0 : i32
    %eq3A_145 = arith.cmpi eq, %jit3A, %eq3A : i32
    %jit3A_146 = arith.constant 1 : i32
    %select_n3A = arith.select %eq3A_145, %jit3A_146, %jit3A : i32
    %rem3A = arith.remsi %squeeze3A, %select_n3A : i32
    %ne3A = arith.constant 0 : i32
    %ne3A_147 = arith.cmpi ne, %rem3A, %ne3A : i32
    %lt3A = arith.constant 0 : i32
    %lt3A_148 = arith.cmpi slt, %rem3A, %lt3A : i32
    %lt3A_149 = arith.constant 0 : i32
    %lt3A_150 = arith.cmpi slt, %select_n3A, %lt3A_149 : i32
    %ne3A_151 = arith.xori %lt3A_148, %lt3A_150 : i1
    %and3A = arith.andi %ne3A_151, %ne3A_147 : i1
    %add3A_152 = arith.addi %rem3A, %select_n3A : i32
    %select_n3A_153 = arith.select %and3A, %add3A_152, %rem3A : i32
    %sub3A_154 = arith.subi %squeeze3A, %select_n3A_153 : i32
    %add3A_155 = arith.constant 128 : i32
    %add3A_156 = arith.addi %sub3A, %add3A_155 : i32
    %sub3A_157 = arith.constant 1 : i32
    %sub3A_158 = arith.subi %add3A_156, %sub3A_157 : i32
    %jit3A_159 = arith.constant 128 : i32
    %div3A = arith.divsi %sub3A_158, %jit3A_159 : i32
    %sign3A = arith.constant 0 : i32
    %sign3A_160 = arith.cmpi sgt, %sub3A_158, %sign3A : i32
    %sign3A_161 = arith.extui %sign3A_160 : i1 to i32
    %sign3A_162 = arith.constant 0 : i32
    %sign3A_163 = arith.cmpi slt, %sub3A_158, %sign3A_162 : i32
    %sign3A_164 = arith.extui %sign3A_163 : i1 to i32
    %sign3A_165 = arith.subi %sign3A_161, %sign3A_164 : i32
    %sign3A_166 = arith.constant 0 : i32
    %sign3A_167 = arith.cmpi sgt, %jit3A_159, %sign3A_166 : i32
    %sign3A_168 = arith.extui %sign3A_167 : i1 to i32
    %sign3A_169 = arith.constant 0 : i32
    %sign3A_170 = arith.cmpi slt, %jit3A_159, %sign3A_169 : i32
    %sign3A_171 = arith.extui %sign3A_170 : i1 to i32
    %sign3A_172 = arith.subi %sign3A_168, %sign3A_171 : i32
    %ne3A_173 = arith.cmpi ne, %sign3A_165, %sign3A_172 : i32
    %rem3A_174 = arith.remsi %sub3A_158, %jit3A_159 : i32
    %ne3A_175 = arith.constant 0 : i32
    %ne3A_176 = arith.cmpi ne, %rem3A_174, %ne3A_175 : i32
    %and3A_177 = arith.andi %ne3A_173, %ne3A_176 : i1
    %sub3A_178 = arith.constant 1 : i32
    %sub3A_179 = arith.subi %div3A, %sub3A_178 : i32
    %select_n3A_180 = arith.select %and3A_177, %sub3A_179, %div3A : i32
    %while3A = arith.constant 0 : i32
    %while3A_181 = arith.constant 0 : i32
    %while3A_182 = arith.subi %select_n3A_180, %while3A : i32
    %while3A_183 = arith.addi %while3A, %while3A_182 : i32
    %while3A_184 = arith.constant 1 : i32
    %while3A_185 = arith.divsi %while3A_182, %while3A_184 : i32
    %while3A_186 = arith.muli %while3A_185, %while3A_184 : i32
    %while3A_187 = arith.addi %while3A, %while3A_186 : i32
    %while3A_188 = arith.constant 1 : i32
    %while3A_189 = scf.for %while3A_199 = %while3A to %while3A_187 step %while3A_188 iter_args(%while3A_200 = %while3A_181) -> (i32)  : i32 {
      %mul3A_201 = arith.constant 128 : i32
      %mul3A_202 = arith.muli %while3A_199, %mul3A_201 : i32
      %add3A_203 = arith.addi %sub3A_154, %mul3A_202 : i32
      %multiple_of3A = tpu.assume_multiple %add3A_203, 8 : i32
      %dma_start3A = arith.constant 0 : i32
      %dma_start3A_204 = tpu.memref_slice %arg11[%dma_start3A] : memref<152xi32, #tpu.memory_space<vmem>> -> memref<136xi32, #tpu.memory_space<vmem>>
      %dma_start3A_205 = tpu.memref_slice %arg3[%multiple_of3A] : memref<65672xi32, #tpu.memory_space<hbm>> -> memref<136xi32, #tpu.memory_space<hbm>>
      %dma_start3A_206 = arith.constant 0 : i32
      %dma_start3A_207 = tpu.memref_slice %arg11[%dma_start3A_206] : memref<152xi32, #tpu.memory_space<vmem>> -> memref<136xi32, #tpu.memory_space<vmem>>
      %dma_start3A_208 = tpu.memref_slice %arg3[%multiple_of3A] : memref<65672xi32, #tpu.memory_space<hbm>> -> memref<136xi32, #tpu.memory_space<hbm>>
      tpu.enqueue_dma source(%dma_start3A_208 : memref<136xi32, #tpu.memory_space<hbm>>) target(%dma_start3A_207 : memref<136xi32, #tpu.memory_space<vmem>>) target_semaphore(%arg20 : memref<!tpu.dma_semaphore, #tpu.memory_space<semaphore_mem>>)
      %dma_start3A_209 = arith.constant 0 : i32
      %dma_start3A_210 = tpu.memref_slice %arg12[%dma_start3A_209] : memref<152xi32, #tpu.memory_space<vmem>> -> memref<136xi32, #tpu.memory_space<vmem>>
      %dma_start3A_211 = tpu.memref_slice %arg4[%multiple_of3A] : memref<65672xi32, #tpu.memory_space<hbm>> -> memref<136xi32, #tpu.memory_space<hbm>>
      %dma_start3A_212 = arith.constant 0 : i32
      %dma_start3A_213 = tpu.memref_slice %arg12[%dma_start3A_212] : memref<152xi32, #tpu.memory_space<vmem>> -> memref<136xi32, #tpu.memory_space<vmem>>
      %dma_start3A_214 = tpu.memref_slice %arg4[%multiple_of3A] : memref<65672xi32, #tpu.memory_space<hbm>> -> memref<136xi32, #tpu.memory_space<hbm>>
      tpu.enqueue_dma source(%dma_start3A_214 : memref<136xi32, #tpu.memory_space<hbm>>) target(%dma_start3A_213 : memref<136xi32, #tpu.memory_space<vmem>>) target_semaphore(%arg21 : memref<!tpu.dma_semaphore, #tpu.memory_space<semaphore_mem>>)
      %dma_wait3A = arith.constant 0 : i32
      %dma_wait3A_215 = tpu.memref_slice %arg11[%dma_wait3A] : memref<152xi32, #tpu.memory_space<vmem>> -> memref<136xi32, #tpu.memory_space<vmem>>
      %dma_wait3A_216 = tpu.memref_slice %arg3[%multiple_of3A] : memref<65672xi32, #tpu.memory_space<hbm>> -> memref<136xi32, #tpu.memory_space<hbm>>
      %dma_wait3A_217 = arith.constant 0 : i32
      %dma_wait3A_218 = tpu.memref_slice %arg11[%dma_wait3A_217] : memref<152xi32, #tpu.memory_space<vmem>> -> memref<136xi32, #tpu.memory_space<vmem>>
      %dma_wait3A_219 = tpu.memref_slice %arg3[%multiple_of3A] : memref<65672xi32, #tpu.memory_space<hbm>> -> memref<136xi32, #tpu.memory_space<hbm>>
      tpu.wait_dma2 semaphore(%arg20 : memref<!tpu.dma_semaphore, #tpu.memory_space<semaphore_mem>>) src(%dma_wait3A_219 : memref<136xi32, #tpu.memory_space<hbm>>) dst(%dma_wait3A_218 : memref<136xi32, #tpu.memory_space<vmem>>)
      %dma_wait3A_220 = arith.constant 0 : i32
      %dma_wait3A_221 = tpu.memref_slice %arg12[%dma_wait3A_220] : memref<152xi32, #tpu.memory_space<vmem>> -> memref<136xi32, #tpu.memory_space<vmem>>
      %dma_wait3A_222 = tpu.memref_slice %arg4[%multiple_of3A] : memref<65672xi32, #tpu.memory_space<hbm>> -> memref<136xi32, #tpu.memory_space<hbm>>
      %dma_wait3A_223 = arith.constant 0 : i32
      %dma_wait3A_224 = tpu.memref_slice %arg12[%dma_wait3A_223] : memref<152xi32, #tpu.memory_space<vmem>> -> memref<136xi32, #tpu.memory_space<vmem>>
      %dma_wait3A_225 = tpu.memref_slice %arg4[%multiple_of3A] : memref<65672xi32, #tpu.memory_space<hbm>> -> memref<136xi32, #tpu.memory_space<hbm>>
      tpu.wait_dma2 semaphore(%arg21 : memref<!tpu.dma_semaphore, #tpu.memory_space<semaphore_mem>>) src(%dma_wait3A_225 : memref<136xi32, #tpu.memory_space<hbm>>) dst(%dma_wait3A_224 : memref<136xi32, #tpu.memory_space<vmem>>)
      %iota3A = tpu.iota {dimensions = array<i32: 0>} : vector<16xi32>
      %add3A_226 = arith.constant 0 : i32
      %add3A_227 = arith.addi %select_n3A_153, %add3A_226 : i32
      %add3A_228 = vector.broadcast %add3A_227 : i32 to vector<16xi32>
      %add3A_229 = arith.addi %iota3A, %add3A_228 : vector<16xi32>
      %gather3A = tpu.vector_load_idx %arg11[%add3A_229] : memref<152xi32, #tpu.memory_space<vmem>>[vector<16xi32>], vector<16xi32>,
      %gather3A_230 = tpu.vector_load_idx %arg12[%add3A_229] : memref<152xi32, #tpu.memory_space<vmem>>[vector<16xi32>], vector<16xi32>,
      %swap3A = arith.constant 0 : index
      %swap3A_231 = tpu.vector_load %arg13[%swap3A] {strides = array<i32>} : memref<128xi32, #tpu.memory_space<vmem>>, vector<16xi32>,
      tpu.vector_store %arg13[%swap3A], %gather3A_230 {strides = array<i32>} : memref<128xi32, #tpu.memory_space<vmem>>, vector<16xi32>,
      %mul3A_232 = arith.constant 16 : i32
      %mul3A_233 = vector.broadcast %mul3A_232 : i32 to vector<16xi32>
      %mul3A_234 = arith.muli %gather3A, %mul3A_233 : vector<16xi32>
      %shift_right_arithmetic3A = arith.constant 7 : i32
      %shift_right_arithmetic3A_235 = vector.broadcast %shift_right_arithmetic3A : i32 to vector<16xi32>
      %shift_right_arithmetic3A_236 = arith.shrsi %gather3A_230, %shift_right_arithmetic3A_235 : vector<16xi32>
      %add3A_237 = arith.addi %mul3A_234, %shift_right_arithmetic3A_236 : vector<16xi32>
      %swap3A_238 = arith.constant 0 : index
      %swap3A_239 = tpu.vector_load %arg14[%swap3A_238] {strides = array<i32>} : memref<128xi32, #tpu.memory_space<vmem>>, vector<16xi32>,
      tpu.vector_store %arg14[%swap3A_238], %add3A_237 {strides = array<i32>} : memref<128xi32, #tpu.memory_space<vmem>>, vector<16xi32>,
      %add3A_240 = arith.constant 16 : i32
      %add3A_241 = arith.addi %select_n3A_153, %add3A_240 : i32
      %add3A_242 = vector.broadcast %add3A_241 : i32 to vector<16xi32>
      %add3A_243 = arith.addi %iota3A, %add3A_242 : vector<16xi32>
      %gather3A_244 = tpu.vector_load_idx %arg11[%add3A_243] : memref<152xi32, #tpu.memory_space<vmem>>[vector<16xi32>], vector<16xi32>,
      %gather3A_245 = tpu.vector_load_idx %arg12[%add3A_243] : memref<152xi32, #tpu.memory_space<vmem>>[vector<16xi32>], vector<16xi32>,
      %swap3A_246 = arith.constant 16 : index
      %swap3A_247 = tpu.vector_load %arg13[%swap3A_246] {strides = array<i32>} : memref<128xi32, #tpu.memory_space<vmem>>, vector<16xi32>,
      tpu.vector_store %arg13[%swap3A_246], %gather3A_245 {strides = array<i32>} : memref<128xi32, #tpu.memory_space<vmem>>, vector<16xi32>,
      %mul3A_248 = arith.constant 16 : i32
      %mul3A_249 = vector.broadcast %mul3A_248 : i32 to vector<16xi32>
      %mul3A_250 = arith.muli %gather3A_244, %mul3A_249 : vector<16xi32>
      %shift_right_arithmetic3A_251 = arith.constant 7 : i32
      %shift_right_arithmetic3A_252 = vector.broadcast %shift_right_arithmetic3A_251 : i32 to vector<16xi32>
      %shift_right_arithmetic3A_253 = arith.shrsi %gather3A_245, %shift_right_arithmetic3A_252 : vector<16xi32>
      %add3A_254 = arith.addi %mul3A_250, %shift_right_arithmetic3A_253 : vector<16xi32>
      %swap3A_255 = arith.constant 16 : index
      %swap3A_256 = tpu.vector_load %arg14[%swap3A_255] {strides = array<i32>} : memref<128xi32, #tpu.memory_space<vmem>>, vector<16xi32>,
      tpu.vector_store %arg14[%swap3A_255], %add3A_254 {strides = array<i32>} : memref<128xi32, #tpu.memory_space<vmem>>, vector<16xi32>,
      %add3A_257 = arith.constant 32 : i32
      %add3A_258 = arith.addi %select_n3A_153, %add3A_257 : i32
      %add3A_259 = vector.broadcast %add3A_258 : i32 to vector<16xi32>
      %add3A_260 = arith.addi %iota3A, %add3A_259 : vector<16xi32>
      %gather3A_261 = tpu.vector_load_idx %arg11[%add3A_260] : memref<152xi32, #tpu.memory_space<vmem>>[vector<16xi32>], vector<16xi32>,
      %gather3A_262 = tpu.vector_load_idx %arg12[%add3A_260] : memref<152xi32, #tpu.memory_space<vmem>>[vector<16xi32>], vector<16xi32>,
      %swap3A_263 = arith.constant 32 : index
      %swap3A_264 = tpu.vector_load %arg13[%swap3A_263] {strides = array<i32>} : memref<128xi32, #tpu.memory_space<vmem>>, vector<16xi32>,
      tpu.vector_store %arg13[%swap3A_263], %gather3A_262 {strides = array<i32>} : memref<128xi32, #tpu.memory_space<vmem>>, vector<16xi32>,
      %mul3A_265 = arith.constant 16 : i32
      %mul3A_266 = vector.broadcast %mul3A_265 : i32 to vector<16xi32>
      %mul3A_267 = arith.muli %gather3A_261, %mul3A_266 : vector<16xi32>
      %shift_right_arithmetic3A_268 = arith.constant 7 : i32
      %shift_right_arithmetic3A_269 = vector.broadcast %shift_right_arithmetic3A_268 : i32 to vector<16xi32>
      %shift_right_arithmetic3A_270 = arith.shrsi %gather3A_262, %shift_right_arithmetic3A_269 : vector<16xi32>
      %add3A_271 = arith.addi %mul3A_267, %shift_right_arithmetic3A_270 : vector<16xi32>
      %swap3A_272 = arith.constant 32 : index
      %swap3A_273 = tpu.vector_load %arg14[%swap3A_272] {strides = array<i32>} : memref<128xi32, #tpu.memory_space<vmem>>, vector<16xi32>,
      tpu.vector_store %arg14[%swap3A_272], %add3A_271 {strides = array<i32>} : memref<128xi32, #tpu.memory_space<vmem>>, vector<16xi32>,
      %add3A_274 = arith.constant 48 : i32
      %add3A_275 = arith.addi %select_n3A_153, %add3A_274 : i32
      %add3A_276 = vector.broadcast %add3A_275 : i32 to vector<16xi32>
      %add3A_277 = arith.addi %iota3A, %add3A_276 : vector<16xi32>
      %gather3A_278 = tpu.vector_load_idx %arg11[%add3A_277] : memref<152xi32, #tpu.memory_space<vmem>>[vector<16xi32>], vector<16xi32>,
      %gather3A_279 = tpu.vector_load_idx %arg12[%add3A_277] : memref<152xi32, #tpu.memory_space<vmem>>[vector<16xi32>], vector<16xi32>,
      %swap3A_280 = arith.constant 48 : index
      %swap3A_281 = tpu.vector_load %arg13[%swap3A_280] {strides = array<i32>} : memref<128xi32, #tpu.memory_space<vmem>>, vector<16xi32>,
      tpu.vector_store %arg13[%swap3A_280], %gather3A_279 {strides = array<i32>} : memref<128xi32, #tpu.memory_space<vmem>>, vector<16xi32>,
      %mul3A_282 = arith.constant 16 : i32
      %mul3A_283 = vector.broadcast %mul3A_282 : i32 to vector<16xi32>
      %mul3A_284 = arith.muli %gather3A_278, %mul3A_283 : vector<16xi32>
      %shift_right_arithmetic3A_285 = arith.constant 7 : i32
      %shift_right_arithmetic3A_286 = vector.broadcast %shift_right_arithmetic3A_285 : i32 to vector<16xi32>
      %shift_right_arithmetic3A_287 = arith.shrsi %gather3A_279, %shift_right_arithmetic3A_286 : vector<16xi32>
      %add3A_288 = arith.addi %mul3A_284, %shift_right_arithmetic3A_287 : vector<16xi32>
      %swap3A_289 = arith.constant 48 : index
      %swap3A_290 = tpu.vector_load %arg14[%swap3A_289] {strides = array<i32>} : memref<128xi32, #tpu.memory_space<vmem>>, vector<16xi32>,
      tpu.vector_store %arg14[%swap3A_289], %add3A_288 {strides = array<i32>} : memref<128xi32, #tpu.memory_space<vmem>>, vector<16xi32>,
      %add3A_291 = arith.constant 64 : i32
      %add3A_292 = arith.addi %select_n3A_153, %add3A_291 : i32
      %add3A_293 = vector.broadcast %add3A_292 : i32 to vector<16xi32>
      %add3A_294 = arith.addi %iota3A, %add3A_293 : vector<16xi32>
      %gather3A_295 = tpu.vector_load_idx %arg11[%add3A_294] : memref<152xi32, #tpu.memory_space<vmem>>[vector<16xi32>], vector<16xi32>,
      %gather3A_296 = tpu.vector_load_idx %arg12[%add3A_294] : memref<152xi32, #tpu.memory_space<vmem>>[vector<16xi32>], vector<16xi32>,
      %swap3A_297 = arith.constant 64 : index
      %swap3A_298 = tpu.vector_load %arg13[%swap3A_297] {strides = array<i32>} : memref<128xi32, #tpu.memory_space<vmem>>, vector<16xi32>,
      tpu.vector_store %arg13[%swap3A_297], %gather3A_296 {strides = array<i32>} : memref<128xi32, #tpu.memory_space<vmem>>, vector<16xi32>,
      %mul3A_299 = arith.constant 16 : i32
      %mul3A_300 = vector.broadcast %mul3A_299 : i32 to vector<16xi32>
      %mul3A_301 = arith.muli %gather3A_295, %mul3A_300 : vector<16xi32>
      %shift_right_arithmetic3A_302 = arith.constant 7 : i32
      %shift_right_arithmetic3A_303 = vector.broadcast %shift_right_arithmetic3A_302 : i32 to vector<16xi32>
      %shift_right_arithmetic3A_304 = arith.shrsi %gather3A_296, %shift_right_arithmetic3A_303 : vector<16xi32>
      %add3A_305 = arith.addi %mul3A_301, %shift_right_arithmetic3A_304 : vector<16xi32>
      %swap3A_306 = arith.constant 64 : index
      %swap3A_307 = tpu.vector_load %arg14[%swap3A_306] {strides = array<i32>} : memref<128xi32, #tpu.memory_space<vmem>>, vector<16xi32>,
      tpu.vector_store %arg14[%swap3A_306], %add3A_305 {strides = array<i32>} : memref<128xi32, #tpu.memory_space<vmem>>, vector<16xi32>,
      %add3A_308 = arith.constant 80 : i32
      %add3A_309 = arith.addi %select_n3A_153, %add3A_308 : i32
      %add3A_310 = vector.broadcast %add3A_309 : i32 to vector<16xi32>
      %add3A_311 = arith.addi %iota3A, %add3A_310 : vector<16xi32>
      %gather3A_312 = tpu.vector_load_idx %arg11[%add3A_311] : memref<152xi32, #tpu.memory_space<vmem>>[vector<16xi32>], vector<16xi32>,
      %gather3A_313 = tpu.vector_load_idx %arg12[%add3A_311] : memref<152xi32, #tpu.memory_space<vmem>>[vector<16xi32>], vector<16xi32>,
      %swap3A_314 = arith.constant 80 : index
      %swap3A_315 = tpu.vector_load %arg13[%swap3A_314] {strides = array<i32>} : memref<128xi32, #tpu.memory_space<vmem>>, vector<16xi32>,
      tpu.vector_store %arg13[%swap3A_314], %gather3A_313 {strides = array<i32>} : memref<128xi32, #tpu.memory_space<vmem>>, vector<16xi32>,
      %mul3A_316 = arith.constant 16 : i32
      %mul3A_317 = vector.broadcast %mul3A_316 : i32 to vector<16xi32>
      %mul3A_318 = arith.muli %gather3A_312, %mul3A_317 : vector<16xi32>
      %shift_right_arithmetic3A_319 = arith.constant 7 : i32
      %shift_right_arithmetic3A_320 = vector.broadcast %shift_right_arithmetic3A_319 : i32 to vector<16xi32>
      %shift_right_arithmetic3A_321 = arith.shrsi %gather3A_313, %shift_right_arithmetic3A_320 : vector<16xi32>
      %add3A_322 = arith.addi %mul3A_318, %shift_right_arithmetic3A_321 : vector<16xi32>
      %swap3A_323 = arith.constant 80 : index
      %swap3A_324 = tpu.vector_load %arg14[%swap3A_323] {strides = array<i32>} : memref<128xi32, #tpu.memory_space<vmem>>, vector<16xi32>,
      tpu.vector_store %arg14[%swap3A_323], %add3A_322 {strides = array<i32>} : memref<128xi32, #tpu.memory_space<vmem>>, vector<16xi32>,
      %add3A_325 = arith.constant 96 : i32
      %add3A_326 = arith.addi %select_n3A_153, %add3A_325 : i32
      %add3A_327 = vector.broadcast %add3A_326 : i32 to vector<16xi32>
      %add3A_328 = arith.addi %iota3A, %add3A_327 : vector<16xi32>
      %gather3A_329 = tpu.vector_load_idx %arg11[%add3A_328] : memref<152xi32, #tpu.memory_space<vmem>>[vector<16xi32>], vector<16xi32>,
      %gather3A_330 = tpu.vector_load_idx %arg12[%add3A_328] : memref<152xi32, #tpu.memory_space<vmem>>[vector<16xi32>], vector<16xi32>,
      %swap3A_331 = arith.constant 96 : index
      %swap3A_332 = tpu.vector_load %arg13[%swap3A_331] {strides = array<i32>} : memref<128xi32, #tpu.memory_space<vmem>>, vector<16xi32>,
      tpu.vector_store %arg13[%swap3A_331], %gather3A_330 {strides = array<i32>} : memref<128xi32, #tpu.memory_space<vmem>>, vector<16xi32>,
      %mul3A_333 = arith.constant 16 : i32
      %mul3A_334 = vector.broadcast %mul3A_333 : i32 to vector<16xi32>
      %mul3A_335 = arith.muli %gather3A_329, %mul3A_334 : vector<16xi32>
      %shift_right_arithmetic3A_336 = arith.constant 7 : i32
      %shift_right_arithmetic3A_337 = vector.broadcast %shift_right_arithmetic3A_336 : i32 to vector<16xi32>
      %shift_right_arithmetic3A_338 = arith.shrsi %gather3A_330, %shift_right_arithmetic3A_337 : vector<16xi32>
      %add3A_339 = arith.addi %mul3A_335, %shift_right_arithmetic3A_338 : vector<16xi32>
      %swap3A_340 = arith.constant 96 : index
      %swap3A_341 = tpu.vector_load %arg14[%swap3A_340] {strides = array<i32>} : memref<128xi32, #tpu.memory_space<vmem>>, vector<16xi32>,
      tpu.vector_store %arg14[%swap3A_340], %add3A_339 {strides = array<i32>} : memref<128xi32, #tpu.memory_space<vmem>>, vector<16xi32>,
      %add3A_342 = arith.constant 112 : i32
      %add3A_343 = arith.addi %select_n3A_153, %add3A_342 : i32
      %add3A_344 = vector.broadcast %add3A_343 : i32 to vector<16xi32>
      %add3A_345 = arith.addi %iota3A, %add3A_344 : vector<16xi32>
      %gather3A_346 = tpu.vector_load_idx %arg11[%add3A_345] : memref<152xi32, #tpu.memory_space<vmem>>[vector<16xi32>], vector<16xi32>,
      %gather3A_347 = tpu.vector_load_idx %arg12[%add3A_345] : memref<152xi32, #tpu.memory_space<vmem>>[vector<16xi32>], vector<16xi32>,
      %swap3A_348 = arith.constant 112 : index
      %swap3A_349 = tpu.vector_load %arg13[%swap3A_348] {strides = array<i32>} : memref<128xi32, #tpu.memory_space<vmem>>, vector<16xi32>,
      tpu.vector_store %arg13[%swap3A_348], %gather3A_347 {strides = array<i32>} : memref<128xi32, #tpu.memory_space<vmem>>, vector<16xi32>,
      %mul3A_350 = arith.constant 16 : i32
      %mul3A_351 = vector.broadcast %mul3A_350 : i32 to vector<16xi32>
      %mul3A_352 = arith.muli %gather3A_346, %mul3A_351 : vector<16xi32>
      %shift_right_arithmetic3A_353 = arith.constant 7 : i32
      %shift_right_arithmetic3A_354 = vector.broadcast %shift_right_arithmetic3A_353 : i32 to vector<16xi32>
      %shift_right_arithmetic3A_355 = arith.shrsi %gather3A_347, %shift_right_arithmetic3A_354 : vector<16xi32>
      %add3A_356 = arith.addi %mul3A_352, %shift_right_arithmetic3A_355 : vector<16xi32>
      %swap3A_357 = arith.constant 112 : index
      %swap3A_358 = tpu.vector_load %arg14[%swap3A_357] {strides = array<i32>} : memref<128xi32, #tpu.memory_space<vmem>>, vector<16xi32>,
      tpu.vector_store %arg14[%swap3A_357], %add3A_356 {strides = array<i32>} : memref<128xi32, #tpu.memory_space<vmem>>, vector<16xi32>,
      %dma_start3A_359 = arith.constant 0 : i32
      %dma_start3A_360 = arith.constant 0 : i32
      %dma_start3A_361 = tpu.memref_slice %arg6[%dma_start3A_359, %dma_start3A_360] : memref<2048x128xf32, #tpu.memory_space<hbm>> -> memref<2048x128xf32, #tpu.memory_space<hbm>>
      tpu.enqueue_indirect_dma source(%dma_start3A_361 : memref<2048x128xf32, #tpu.memory_space<hbm>>) target(%arg15 : memref<128x128xf32, #tpu.memory_space<vmem>>) offsets(%arg13 : memref<128xi32, #tpu.memory_space<vmem>>) semaphore(%arg20 : memref<!tpu.dma_semaphore, #tpu.memory_space<semaphore_mem>>)
      %dma_start3A_362 = arith.constant 0 : i32
      %dma_start3A_363 = arith.constant 0 : i32
      %dma_start3A_364 = tpu.memref_slice %arg7[%dma_start3A_362, %dma_start3A_363] : memref<32768x512xf32, #tpu.memory_space<hbm>> -> memref<32768x512xf32, #tpu.memory_space<hbm>>
      tpu.enqueue_indirect_dma source(%dma_start3A_364 : memref<32768x512xf32, #tpu.memory_space<hbm>>) target(%arg16 : memref<128x512xf32, #tpu.memory_space<vmem>>) offsets(%arg14 : memref<128xi32, #tpu.memory_space<vmem>>) semaphore(%arg21 : memref<!tpu.dma_semaphore, #tpu.memory_space<semaphore_mem>>)
      %dma_wait3A_365 = arith.constant 0 : i32
      %dma_wait3A_366 = arith.constant 0 : i32
      %dma_wait3A_367 = tpu.memref_slice %arg6[%dma_wait3A_365, %dma_wait3A_366] : memref<2048x128xf32, #tpu.memory_space<hbm>> -> memref<2048x128xf32, #tpu.memory_space<hbm>>
      tpu.wait_indirect_dma semaphore(%arg20 : memref<!tpu.dma_semaphore, #tpu.memory_space<semaphore_mem>>) src(%dma_wait3A_367 : memref<2048x128xf32, #tpu.memory_space<hbm>>) dst(%arg15 : memref<128x128xf32, #tpu.memory_space<vmem>>)
      %dma_wait3A_368 = arith.constant 0 : i32
      %dma_wait3A_369 = arith.constant 0 : i32
      %dma_wait3A_370 = tpu.memref_slice %arg7[%dma_wait3A_368, %dma_wait3A_369] : memref<32768x512xf32, #tpu.memory_space<hbm>> -> memref<32768x512xf32, #tpu.memory_space<hbm>>
      tpu.wait_indirect_dma semaphore(%arg21 : memref<!tpu.dma_semaphore, #tpu.memory_space<semaphore_mem>>) src(%dma_wait3A_370 : memref<32768x512xf32, #tpu.memory_space<hbm>>) dst(%arg16 : memref<128x512xf32, #tpu.memory_space<vmem>>)
      %mul3A_371 = arith.constant 128 : i32
      %mul3A_372 = arith.muli %while3A_199, %mul3A_371 : i32
      %sub3A_373 = arith.subi %sub3A, %mul3A_372 : i32
      %min3A = arith.constant 128 : i32
      %min3A_374 = arith.minsi %sub3A_373, %min3A : i32
      %while3A_375 = arith.constant 0 : i32
      %while3A_376 = scf.while (%while3A_378 = %while3A_375) : (i32) -> i32 {
        %lt3A_379 = arith.cmpi slt, %while3A_378, %min3A_374 : i32
        scf.condition(%lt3A_379) %while3A_378 : i32
      } do {
      ^bb0(%while3A_378: i32):
        %add3A_379 = arith.addi %select_n3A_153, %while3A_378 : i32
        %get3A_380 = arith.index_cast %add3A_379 : i32 to index
        %get3A_381 = tpu.vector_load %arg11[%get3A_380] {strides = array<i32>} : memref<152xi32, #tpu.memory_space<vmem>>, vector<16xi32>,
        %slice3A_382 = vector.extract_strided_slice %get3A_381 {offsets = [0], sizes = [1], strides = [1]} : vector<16xi32> to vector<1xi32>
        %squeeze3A_383 = vector.extract %slice3A_382[0] : i32 from vector<1xi32>
        %sub3A_384 = arith.subi %squeeze3A_383, %mul3A_2 : i32
        %get3A_385 = arith.index_cast %sub3A_384 : i32 to index
        %get3A_386 = arith.constant 0 : index
        %get3A_387 = tpu.vector_load %arg19[%get3A_385, %get3A_386] {strides = array<i32>} : memref<64x128xf32, #tpu.memory_space<vmem>>, vector<16xf32>,
        %get3A_388 = arith.index_cast %sub3A_384 : i32 to index
        %get3A_389 = arith.constant 16 : index
        %get3A_390 = tpu.vector_load %arg19[%get3A_388, %get3A_389] {strides = array<i32>} : memref<64x128xf32, #tpu.memory_space<vmem>>, vector<16xf32>,
        %get3A_391 = arith.index_cast %sub3A_384 : i32 to index
        %get3A_392 = arith.constant 32 : index
        %get3A_393 = tpu.vector_load %arg19[%get3A_391, %get3A_392] {strides = array<i32>} : memref<64x128xf32, #tpu.memory_space<vmem>>, vector<16xf32>,
        %get3A_394 = arith.index_cast %sub3A_384 : i32 to index
        %get3A_395 = arith.constant 48 : index
        %get3A_396 = tpu.vector_load %arg19[%get3A_394, %get3A_395] {strides = array<i32>} : memref<64x128xf32, #tpu.memory_space<vmem>>, vector<16xf32>,
        %get3A_397 = arith.index_cast %sub3A_384 : i32 to index
        %get3A_398 = arith.constant 64 : index
        %get3A_399 = tpu.vector_load %arg19[%get3A_397, %get3A_398] {strides = array<i32>} : memref<64x128xf32, #tpu.memory_space<vmem>>, vector<16xf32>,
        %get3A_400 = arith.index_cast %sub3A_384 : i32 to index
        %get3A_401 = arith.constant 80 : index
        %get3A_402 = tpu.vector_load %arg19[%get3A_400, %get3A_401] {strides = array<i32>} : memref<64x128xf32, #tpu.memory_space<vmem>>, vector<16xf32>,
        %get3A_403 = arith.index_cast %sub3A_384 : i32 to index
        %get3A_404 = arith.constant 96 : index
        %get3A_405 = tpu.vector_load %arg19[%get3A_403, %get3A_404] {strides = array<i32>} : memref<64x128xf32, #tpu.memory_space<vmem>>, vector<16xf32>,
        %get3A_406 = arith.index_cast %sub3A_384 : i32 to index
        %get3A_407 = arith.constant 112 : index
        %get3A_408 = tpu.vector_load %arg19[%get3A_406, %get3A_407] {strides = array<i32>} : memref<64x128xf32, #tpu.memory_space<vmem>>, vector<16xf32>,
        %while3A_409:9 = scf.while (%while3A_434 = %while3A_378, %while3A_435 = %get3A_387, %while3A_436 = %get3A_390, %while3A_437 = %get3A_393, %while3A_438 = %get3A_396, %while3A_439 = %get3A_399, %while3A_440 = %get3A_402, %while3A_441 = %get3A_405, %while3A_442 = %get3A_408) : (i32, vector<16xf32>, vector<16xf32>, vector<16xf32>, vector<16xf32>, vector<16xf32>, vector<16xf32>, vector<16xf32>, vector<16xf32>) -> (i32, vector<16xf32>, vector<16xf32>, vector<16xf32>, vector<16xf32>, vector<16xf32>, vector<16xf32>, vector<16xf32>, vector<16xf32>) {
          %lt3A_443 = arith.cmpi slt, %while3A_434, %min3A_374 : i32
          %add3A_444 = arith.addi %select_n3A_153, %while3A_434 : i32
          %get3A_445 = arith.index_cast %add3A_444 : i32 to index
          %get3A_446 = tpu.vector_load %arg11[%get3A_445] {strides = array<i32>} : memref<152xi32, #tpu.memory_space<vmem>>, vector<16xi32>,
          %slice3A_447 = vector.extract_strided_slice %get3A_446 {offsets = [0], sizes = [1], strides = [1]} : vector<16xi32> to vector<1xi32>
          %squeeze3A_448 = vector.extract %slice3A_447[0] : i32 from vector<1xi32>
          %eq3A_449 = arith.cmpi eq, %squeeze3A_448, %squeeze3A_383 : i32
          %and3A_450 = arith.andi %lt3A_443, %eq3A_449 : i1
          scf.condition(%and3A_450) %while3A_434, %while3A_435, %while3A_436, %while3A_437, %while3A_438, %while3A_439, %while3A_440, %while3A_441, %while3A_442 : i32, vector<16xf32>, vector<16xf32>, vector<16xf32>, vector<16xf32>, vector<16xf32>, vector<16xf32>, vector<16xf32>, vector<16xf32>
        } do {
        ^bb0(%while3A_434: i32, %while3A_435: vector<16xf32>, %while3A_436: vector<16xf32>, %while3A_437: vector<16xf32>, %while3A_438: vector<16xf32>, %while3A_439: vector<16xf32>, %while3A_440: vector<16xf32>, %while3A_441: vector<16xf32>, %while3A_442: vector<16xf32>):
          %add3A_443 = arith.addi %select_n3A_153, %while3A_434 : i32
          %get3A_444 = arith.index_cast %add3A_443 : i32 to index
          %get3A_445 = tpu.vector_load %arg12[%get3A_444] {strides = array<i32>} : memref<152xi32, #tpu.memory_space<vmem>>, vector<16xi32>,
          %slice3A_446 = vector.extract_strided_slice %get3A_445 {offsets = [0], sizes = [1], strides = [1]} : vector<16xi32> to vector<1xi32>
          %squeeze3A_447 = vector.extract %slice3A_446[0] : i32 from vector<1xi32>
          %and3A_448 = arith.constant 127 : i32
          %and3A_449 = arith.andi %squeeze3A_447, %and3A_448 : i32
          %broadcast_in_dim3A_450 = vector.broadcast %while3A_434 : i32 to vector<16xi32>
          %broadcast_in_dim3A_451 = arith.constant 0 : i32
          %broadcast_in_dim3A_452 = vector.broadcast %broadcast_in_dim3A_451 : i32 to vector<16xi32>
          %add3A_453 = vector.broadcast %and3A_449 : i32 to vector<16xi32>
          %add3A_454 = arith.addi %broadcast_in_dim3A_452, %add3A_453 : vector<16xi32>
          %gather3A_455 = tpu.vector_load_idx %arg16[%broadcast_in_dim3A_450, %add3A_454] : memref<128x512xf32, #tpu.memory_space<vmem>>[vector<16xi32>, vector<16xi32>], vector<16xf32>,
          %broadcast_in_dim3A_456 = arith.constant 128 : i32
          %broadcast_in_dim3A_457 = vector.broadcast %broadcast_in_dim3A_456 : i32 to vector<16xi32>
          %add3A_458 = vector.broadcast %and3A_449 : i32 to vector<16xi32>
          %add3A_459 = arith.addi %broadcast_in_dim3A_457, %add3A_458 : vector<16xi32>
          %gather3A_460 = tpu.vector_load_idx %arg16[%broadcast_in_dim3A_450, %add3A_459] : memref<128x512xf32, #tpu.memory_space<vmem>>[vector<16xi32>, vector<16xi32>], vector<16xf32>,
          %broadcast_in_dim3A_461 = arith.constant 256 : i32
          %broadcast_in_dim3A_462 = vector.broadcast %broadcast_in_dim3A_461 : i32 to vector<16xi32>
          %add3A_463 = vector.broadcast %and3A_449 : i32 to vector<16xi32>
          %add3A_464 = arith.addi %broadcast_in_dim3A_462, %add3A_463 : vector<16xi32>
          %gather3A_465 = tpu.vector_load_idx %arg16[%broadcast_in_dim3A_450, %add3A_464] : memref<128x512xf32, #tpu.memory_space<vmem>>[vector<16xi32>, vector<16xi32>], vector<16xf32>,
          %broadcast_in_dim3A_466 = arith.constant 384 : i32
          %broadcast_in_dim3A_467 = vector.broadcast %broadcast_in_dim3A_466 : i32 to vector<16xi32>
          %add3A_468 = vector.broadcast %and3A_449 : i32 to vector<16xi32>
          %add3A_469 = arith.addi %broadcast_in_dim3A_467, %add3A_468 : vector<16xi32>
          %gather3A_470 = tpu.vector_load_idx %arg16[%broadcast_in_dim3A_450, %add3A_469] : memref<128x512xf32, #tpu.memory_space<vmem>>[vector<16xi32>, vector<16xi32>], vector<16xf32>,
          %get3A_471 = arith.index_cast %while3A_434 : i32 to index
          %get3A_472 = arith.constant 0 : index
          %get3A_473 = tpu.vector_load %arg15[%get3A_471, %get3A_472] {strides = array<i32>} : memref<128x128xf32, #tpu.memory_space<vmem>>, vector<16xf32>,
          %mul3A_474 = arith.mulf %gather3A_455, %get3A_5 : vector<16xf32>
          %add3A_475 = arith.addf %get3A_473, %mul3A_474 : vector<16xf32>
          %mul3A_476 = arith.mulf %gather3A_460, %get3A_37 : vector<16xf32>
          %add3A_477 = arith.addf %add3A_475, %mul3A_476 : vector<16xf32>
          %mul3A_478 = arith.mulf %gather3A_465, %get3A_69 : vector<16xf32>
          %add3A_479 = arith.addf %add3A_477, %mul3A_478 : vector<16xf32>
          %mul3A_480 = arith.mulf %gather3A_470, %get3A_101 : vector<16xf32>
          %add3A_481 = arith.addf %add3A_479, %mul3A_480 : vector<16xf32>
          %max3A = arith.maximumf %while3A_435, %add3A_481 : vector<16xf32>
          %get3A_482 = arith.index_cast %while3A_434 : i32 to index
          %get3A_483 = arith.constant 16 : index
          %get3A_484 = tpu.vector_load %arg15[%get3A_482, %get3A_483] {strides = array<i32>} : memref<128x128xf32, #tpu.memory_space<vmem>>, vector<16xf32>,
          %mul3A_485 = arith.mulf %gather3A_455, %get3A_9 : vector<16xf32>
          %add3A_486 = arith.addf %get3A_484, %mul3A_485 : vector<16xf32>
          %mul3A_487 = arith.mulf %gather3A_460, %get3A_41 : vector<16xf32>
          %add3A_488 = arith.addf %add3A_486, %mul3A_487 : vector<16xf32>
          %mul3A_489 = arith.mulf %gather3A_465, %get3A_73 : vector<16xf32>
          %add3A_490 = arith.addf %add3A_488, %mul3A_489 : vector<16xf32>
          %mul3A_491 = arith.mulf %gather3A_470, %get3A_105 : vector<16xf32>
          %add3A_492 = arith.addf %add3A_490, %mul3A_491 : vector<16xf32>
          %max3A_493 = arith.maximumf %while3A_436, %add3A_492 : vector<16xf32>
          %get3A_494 = arith.index_cast %while3A_434 : i32 to index
          %get3A_495 = arith.constant 32 : index
          %get3A_496 = tpu.vector_load %arg15[%get3A_494, %get3A_495] {strides = array<i32>} : memref<128x128xf32, #tpu.memory_space<vmem>>, vector<16xf32>,
          %mul3A_497 = arith.mulf %gather3A_455, %get3A_13 : vector<16xf32>
          %add3A_498 = arith.addf %get3A_496, %mul3A_497 : vector<16xf32>
          %mul3A_499 = arith.mulf %gather3A_460, %get3A_45 : vector<16xf32>
          %add3A_500 = arith.addf %add3A_498, %mul3A_499 : vector<16xf32>
          %mul3A_501 = arith.mulf %gather3A_465, %get3A_77 : vector<16xf32>
          %add3A_502 = arith.addf %add3A_500, %mul3A_501 : vector<16xf32>
          %mul3A_503 = arith.mulf %gather3A_470, %get3A_109 : vector<16xf32>
          %add3A_504 = arith.addf %add3A_502, %mul3A_503 : vector<16xf32>
          %max3A_505 = arith.maximumf %while3A_437, %add3A_504 : vector<16xf32>
          %get3A_506 = arith.index_cast %while3A_434 : i32 to index
          %get3A_507 = arith.constant 48 : index
          %get3A_508 = tpu.vector_load %arg15[%get3A_506, %get3A_507] {strides = array<i32>} : memref<128x128xf32, #tpu.memory_space<vmem>>, vector<16xf32>,
          %mul3A_509 = arith.mulf %gather3A_455, %get3A_17 : vector<16xf32>
          %add3A_510 = arith.addf %get3A_508, %mul3A_509 : vector<16xf32>
          %mul3A_511 = arith.mulf %gather3A_460, %get3A_49 : vector<16xf32>
          %add3A_512 = arith.addf %add3A_510, %mul3A_511 : vector<16xf32>
          %mul3A_513 = arith.mulf %gather3A_465, %get3A_81 : vector<16xf32>
          %add3A_514 = arith.addf %add3A_512, %mul3A_513 : vector<16xf32>
          %mul3A_515 = arith.mulf %gather3A_470, %get3A_113 : vector<16xf32>
          %add3A_516 = arith.addf %add3A_514, %mul3A_515 : vector<16xf32>
          %max3A_517 = arith.maximumf %while3A_438, %add3A_516 : vector<16xf32>
          %get3A_518 = arith.index_cast %while3A_434 : i32 to index
          %get3A_519 = arith.constant 64 : index
          %get3A_520 = tpu.vector_load %arg15[%get3A_518, %get3A_519] {strides = array<i32>} : memref<128x128xf32, #tpu.memory_space<vmem>>, vector<16xf32>,
          %mul3A_521 = arith.mulf %gather3A_455, %get3A_21 : vector<16xf32>
          %add3A_522 = arith.addf %get3A_520, %mul3A_521 : vector<16xf32>
          %mul3A_523 = arith.mulf %gather3A_460, %get3A_53 : vector<16xf32>
          %add3A_524 = arith.addf %add3A_522, %mul3A_523 : vector<16xf32>
          %mul3A_525 = arith.mulf %gather3A_465, %get3A_85 : vector<16xf32>
          %add3A_526 = arith.addf %add3A_524, %mul3A_525 : vector<16xf32>
          %mul3A_527 = arith.mulf %gather3A_470, %get3A_117 : vector<16xf32>
          %add3A_528 = arith.addf %add3A_526, %mul3A_527 : vector<16xf32>
          %max3A_529 = arith.maximumf %while3A_439, %add3A_528 : vector<16xf32>
          %get3A_530 = arith.index_cast %while3A_434 : i32 to index
          %get3A_531 = arith.constant 80 : index
          %get3A_532 = tpu.vector_load %arg15[%get3A_530, %get3A_531] {strides = array<i32>} : memref<128x128xf32, #tpu.memory_space<vmem>>, vector<16xf32>,
          %mul3A_533 = arith.mulf %gather3A_455, %get3A_25 : vector<16xf32>
          %add3A_534 = arith.addf %get3A_532, %mul3A_533 : vector<16xf32>
          %mul3A_535 = arith.mulf %gather3A_460, %get3A_57 : vector<16xf32>
          %add3A_536 = arith.addf %add3A_534, %mul3A_535 : vector<16xf32>
          %mul3A_537 = arith.mulf %gather3A_465, %get3A_89 : vector<16xf32>
          %add3A_538 = arith.addf %add3A_536, %mul3A_537 : vector<16xf32>
          %mul3A_539 = arith.mulf %gather3A_470, %get3A_121 : vector<16xf32>
          %add3A_540 = arith.addf %add3A_538, %mul3A_539 : vector<16xf32>
          %max3A_541 = arith.maximumf %while3A_440, %add3A_540 : vector<16xf32>
          %get3A_542 = arith.index_cast %while3A_434 : i32 to index
          %get3A_543 = arith.constant 96 : index
          %get3A_544 = tpu.vector_load %arg15[%get3A_542, %get3A_543] {strides = array<i32>} : memref<128x128xf32, #tpu.memory_space<vmem>>, vector<16xf32>,
          %mul3A_545 = arith.mulf %gather3A_455, %get3A_29 : vector<16xf32>
          %add3A_546 = arith.addf %get3A_544, %mul3A_545 : vector<16xf32>
          %mul3A_547 = arith.mulf %gather3A_460, %get3A_61 : vector<16xf32>
          %add3A_548 = arith.addf %add3A_546, %mul3A_547 : vector<16xf32>
          %mul3A_549 = arith.mulf %gather3A_465, %get3A_93 : vector<16xf32>
          %add3A_550 = arith.addf %add3A_548, %mul3A_549 : vector<16xf32>
          %mul3A_551 = arith.mulf %gather3A_470, %get3A_125 : vector<16xf32>
          %add3A_552 = arith.addf %add3A_550, %mul3A_551 : vector<16xf32>
          %max3A_553 = arith.maximumf %while3A_441, %add3A_552 : vector<16xf32>
          %get3A_554 = arith.index_cast %while3A_434 : i32 to index
          %get3A_555 = arith.constant 112 : index
          %get3A_556 = tpu.vector_load %arg15[%get3A_554, %get3A_555] {strides = array<i32>} : memref<128x128xf32, #tpu.memory_space<vmem>>, vector<16xf32>,
          %mul3A_557 = arith.mulf %gather3A_455, %get3A_33 : vector<16xf32>
          %add3A_558 = arith.addf %get3A_556, %mul3A_557 : vector<16xf32>
          %mul3A_559 = arith.mulf %gather3A_460, %get3A_65 : vector<16xf32>
          %add3A_560 = arith.addf %add3A_558, %mul3A_559 : vector<16xf32>
          %mul3A_561 = arith.mulf %gather3A_465, %get3A_97 : vector<16xf32>
          %add3A_562 = arith.addf %add3A_560, %mul3A_561 : vector<16xf32>
          %mul3A_563 = arith.mulf %gather3A_470, %get3A_129 : vector<16xf32>
          %add3A_564 = arith.addf %add3A_562, %mul3A_563 : vector<16xf32>
          %max3A_565 = arith.maximumf %while3A_442, %add3A_564 : vector<16xf32>
          %add3A_566 = arith.constant 1 : i32
          %add3A_567 = arith.addi %while3A_434, %add3A_566 : i32
          scf.yield %add3A_567, %max3A, %max3A_493, %max3A_505, %max3A_517, %max3A_529, %max3A_541, %max3A_553, %max3A_565 : i32, vector<16xf32>, vector<16xf32>, vector<16xf32>, vector<16xf32>, vector<16xf32>, vector<16xf32>, vector<16xf32>, vector<16xf32>
        }
        %swap3A_410 = arith.index_cast %sub3A_384 : i32 to index
        %swap3A_411 = arith.constant 0 : index
        %swap3A_412 = tpu.vector_load %arg19[%swap3A_410, %swap3A_411] {strides = array<i32>} : memref<64x128xf32, #tpu.memory_space<vmem>>, vector<16xf32>,
        tpu.vector_store %arg19[%swap3A_410, %swap3A_411], %while3A_409#1 {strides = array<i32>} : memref<64x128xf32, #tpu.memory_space<vmem>>, vector<16xf32>,
        %swap3A_413 = arith.index_cast %sub3A_384 : i32 to index
        %swap3A_414 = arith.constant 16 : index
        %swap3A_415 = tpu.vector_load %arg19[%swap3A_413, %swap3A_414] {strides = array<i32>} : memref<64x128xf32, #tpu.memory_space<vmem>>, vector<16xf32>,
        tpu.vector_store %arg19[%swap3A_413, %swap3A_414], %while3A_409#2 {strides = array<i32>} : memref<64x128xf32, #tpu.memory_space<vmem>>, vector<16xf32>,
        %swap3A_416 = arith.index_cast %sub3A_384 : i32 to index
        %swap3A_417 = arith.constant 32 : index
        %swap3A_418 = tpu.vector_load %arg19[%swap3A_416, %swap3A_417] {strides = array<i32>} : memref<64x128xf32, #tpu.memory_space<vmem>>, vector<16xf32>,
        tpu.vector_store %arg19[%swap3A_416, %swap3A_417], %while3A_409#3 {strides = array<i32>} : memref<64x128xf32, #tpu.memory_space<vmem>>, vector<16xf32>,
        %swap3A_419 = arith.index_cast %sub3A_384 : i32 to index
        %swap3A_420 = arith.constant 48 : index
        %swap3A_421 = tpu.vector_load %arg19[%swap3A_419, %swap3A_420] {strides = array<i32>} : memref<64x128xf32, #tpu.memory_space<vmem>>, vector<16xf32>,
        tpu.vector_store %arg19[%swap3A_419, %swap3A_420], %while3A_409#4 {strides = array<i32>} : memref<64x128xf32, #tpu.memory_space<vmem>>, vector<16xf32>,
        %swap3A_422 = arith.index_cast %sub3A_384 : i32 to index
        %swap3A_423 = arith.constant 64 : index
        %swap3A_424 = tpu.vector_load %arg19[%swap3A_422, %swap3A_423] {strides = array<i32>} : memref<64x128xf32, #tpu.memory_space<vmem>>, vector<16xf32>,
        tpu.vector_store %arg19[%swap3A_422, %swap3A_423], %while3A_409#5 {strides = array<i32>} : memref<64x128xf32, #tpu.memory_space<vmem>>, vector<16xf32>,
        %swap3A_425 = arith.index_cast %sub3A_384 : i32 to index
        %swap3A_426 = arith.constant 80 : index
        %swap3A_427 = tpu.vector_load %arg19[%swap3A_425, %swap3A_426] {strides = array<i32>} : memref<64x128xf32, #tpu.memory_space<vmem>>, vector<16xf32>,
        tpu.vector_store %arg19[%swap3A_425, %swap3A_426], %while3A_409#6 {strides = array<i32>} : memref<64x128xf32, #tpu.memory_space<vmem>>, vector<16xf32>,
        %swap3A_428 = arith.index_cast %sub3A_384 : i32 to index
        %swap3A_429 = arith.constant 96 : index
        %swap3A_430 = tpu.vector_load %arg19[%swap3A_428, %swap3A_429] {strides = array<i32>} : memref<64x128xf32, #tpu.memory_space<vmem>>, vector<16xf32>,
        tpu.vector_store %arg19[%swap3A_428, %swap3A_429], %while3A_409#7 {strides = array<i32>} : memref<64x128xf32, #tpu.memory_space<vmem>>, vector<16xf32>,
        %swap3A_431 = arith.index_cast %sub3A_384 : i32 to index
        %swap3A_432 = arith.constant 112 : index
        %swap3A_433 = tpu.vector_load %arg19[%swap3A_431, %swap3A_432] {strides = array<i32>} : memref<64x128xf32, #tpu.memory_space<vmem>>, vector<16xf32>,
        tpu.vector_store %arg19[%swap3A_431, %swap3A_432], %while3A_409#8 {strides = array<i32>} : memref<64x128xf32, #tpu.memory_space<vmem>>, vector<16xf32>,
        scf.yield %while3A_409#0 : i32
      }
      %while3A_377 = arith.constant 0 : i32
      scf.yield %while3A_377 : i32
    }
    %while3A_190 = arith.constant 1 : i32
    %while3A_191 = scf.for %while3A_199 = %while3A_187 to %while3A_183 step %while3A_190 iter_args(%while3A_200 = %while3A_189) -> (i32)  : i32 {
      %mul3A_201 = arith.constant 128 : i32
      %mul3A_202 = arith.muli %while3A_199, %mul3A_201 : i32
      %add3A_203 = arith.addi %sub3A_154, %mul3A_202 : i32
      %multiple_of3A = tpu.assume_multiple %add3A_203, 8 : i32
      %dma_start3A = arith.constant 0 : i32
      %dma_start3A_204 = tpu.memref_slice %arg11[%dma_start3A] : memref<152xi32, #tpu.memory_space<vmem>> -> memref<136xi32, #tpu.memory_space<vmem>>
      %dma_start3A_205 = tpu.memref_slice %arg3[%multiple_of3A] : memref<65672xi32, #tpu.memory_space<hbm>> -> memref<136xi32, #tpu.memory_space<hbm>>
      %dma_start3A_206 = arith.constant 0 : i32
      %dma_start3A_207 = tpu.memref_slice %arg11[%dma_start3A_206] : memref<152xi32, #tpu.memory_space<vmem>> -> memref<136xi32, #tpu.memory_space<vmem>>
      %dma_start3A_208 = tpu.memref_slice %arg3[%multiple_of3A] : memref<65672xi32, #tpu.memory_space<hbm>> -> memref<136xi32, #tpu.memory_space<hbm>>
      tpu.enqueue_dma source(%dma_start3A_208 : memref<136xi32, #tpu.memory_space<hbm>>) target(%dma_start3A_207 : memref<136xi32, #tpu.memory_space<vmem>>) target_semaphore(%arg20 : memref<!tpu.dma_semaphore, #tpu.memory_space<semaphore_mem>>)
      %dma_start3A_209 = arith.constant 0 : i32
      %dma_start3A_210 = tpu.memref_slice %arg12[%dma_start3A_209] : memref<152xi32, #tpu.memory_space<vmem>> -> memref<136xi32, #tpu.memory_space<vmem>>
      %dma_start3A_211 = tpu.memref_slice %arg4[%multiple_of3A] : memref<65672xi32, #tpu.memory_space<hbm>> -> memref<136xi32, #tpu.memory_space<hbm>>
      %dma_start3A_212 = arith.constant 0 : i32
      %dma_start3A_213 = tpu.memref_slice %arg12[%dma_start3A_212] : memref<152xi32, #tpu.memory_space<vmem>> -> memref<136xi32, #tpu.memory_space<vmem>>
      %dma_start3A_214 = tpu.memref_slice %arg4[%multiple_of3A] : memref<65672xi32, #tpu.memory_space<hbm>> -> memref<136xi32, #tpu.memory_space<hbm>>
      tpu.enqueue_dma source(%dma_start3A_214 : memref<136xi32, #tpu.memory_space<hbm>>) target(%dma_start3A_213 : memref<136xi32, #tpu.memory_space<vmem>>) target_semaphore(%arg21 : memref<!tpu.dma_semaphore, #tpu.memory_space<semaphore_mem>>)
      %dma_wait3A = arith.constant 0 : i32
      %dma_wait3A_215 = tpu.memref_slice %arg11[%dma_wait3A] : memref<152xi32, #tpu.memory_space<vmem>> -> memref<136xi32, #tpu.memory_space<vmem>>
      %dma_wait3A_216 = tpu.memref_slice %arg3[%multiple_of3A] : memref<65672xi32, #tpu.memory_space<hbm>> -> memref<136xi32, #tpu.memory_space<hbm>>
      %dma_wait3A_217 = arith.constant 0 : i32
      %dma_wait3A_218 = tpu.memref_slice %arg11[%dma_wait3A_217] : memref<152xi32, #tpu.memory_space<vmem>> -> memref<136xi32, #tpu.memory_space<vmem>>
      %dma_wait3A_219 = tpu.memref_slice %arg3[%multiple_of3A] : memref<65672xi32, #tpu.memory_space<hbm>> -> memref<136xi32, #tpu.memory_space<hbm>>
      tpu.wait_dma2 semaphore(%arg20 : memref<!tpu.dma_semaphore, #tpu.memory_space<semaphore_mem>>) src(%dma_wait3A_219 : memref<136xi32, #tpu.memory_space<hbm>>) dst(%dma_wait3A_218 : memref<136xi32, #tpu.memory_space<vmem>>)
      %dma_wait3A_220 = arith.constant 0 : i32
      %dma_wait3A_221 = tpu.memref_slice %arg12[%dma_wait3A_220] : memref<152xi32, #tpu.memory_space<vmem>> -> memref<136xi32, #tpu.memory_space<vmem>>
      %dma_wait3A_222 = tpu.memref_slice %arg4[%multiple_of3A] : memref<65672xi32, #tpu.memory_space<hbm>> -> memref<136xi32, #tpu.memory_space<hbm>>
      %dma_wait3A_223 = arith.constant 0 : i32
      %dma_wait3A_224 = tpu.memref_slice %arg12[%dma_wait3A_223] : memref<152xi32, #tpu.memory_space<vmem>> -> memref<136xi32, #tpu.memory_space<vmem>>
      %dma_wait3A_225 = tpu.memref_slice %arg4[%multiple_of3A] : memref<65672xi32, #tpu.memory_space<hbm>> -> memref<136xi32, #tpu.memory_space<hbm>>
      tpu.wait_dma2 semaphore(%arg21 : memref<!tpu.dma_semaphore, #tpu.memory_space<semaphore_mem>>) src(%dma_wait3A_225 : memref<136xi32, #tpu.memory_space<hbm>>) dst(%dma_wait3A_224 : memref<136xi32, #tpu.memory_space<vmem>>)
      %iota3A = tpu.iota {dimensions = array<i32: 0>} : vector<16xi32>
      %add3A_226 = arith.constant 0 : i32
      %add3A_227 = arith.addi %select_n3A_153, %add3A_226 : i32
      %add3A_228 = vector.broadcast %add3A_227 : i32 to vector<16xi32>
      %add3A_229 = arith.addi %iota3A, %add3A_228 : vector<16xi32>
      %gather3A = tpu.vector_load_idx %arg11[%add3A_229] : memref<152xi32, #tpu.memory_space<vmem>>[vector<16xi32>], vector<16xi32>,
      %gather3A_230 = tpu.vector_load_idx %arg12[%add3A_229] : memref<152xi32, #tpu.memory_space<vmem>>[vector<16xi32>], vector<16xi32>,
      %swap3A = arith.constant 0 : index
      %swap3A_231 = tpu.vector_load %arg13[%swap3A] {strides = array<i32>} : memref<128xi32, #tpu.memory_space<vmem>>, vector<16xi32>,
      tpu.vector_store %arg13[%swap3A], %gather3A_230 {strides = array<i32>} : memref<128xi32, #tpu.memory_space<vmem>>, vector<16xi32>,
      %mul3A_232 = arith.constant 16 : i32
      %mul3A_233 = vector.broadcast %mul3A_232 : i32 to vector<16xi32>
      %mul3A_234 = arith.muli %gather3A, %mul3A_233 : vector<16xi32>
      %shift_right_arithmetic3A = arith.constant 7 : i32
      %shift_right_arithmetic3A_235 = vector.broadcast %shift_right_arithmetic3A : i32 to vector<16xi32>
      %shift_right_arithmetic3A_236 = arith.shrsi %gather3A_230, %shift_right_arithmetic3A_235 : vector<16xi32>
      %add3A_237 = arith.addi %mul3A_234, %shift_right_arithmetic3A_236 : vector<16xi32>
      %swap3A_238 = arith.constant 0 : index
      %swap3A_239 = tpu.vector_load %arg14[%swap3A_238] {strides = array<i32>} : memref<128xi32, #tpu.memory_space<vmem>>, vector<16xi32>,
      tpu.vector_store %arg14[%swap3A_238], %add3A_237 {strides = array<i32>} : memref<128xi32, #tpu.memory_space<vmem>>, vector<16xi32>,
      %add3A_240 = arith.constant 16 : i32
      %add3A_241 = arith.addi %select_n3A_153, %add3A_240 : i32
      %add3A_242 = vector.broadcast %add3A_241 : i32 to vector<16xi32>
      %add3A_243 = arith.addi %iota3A, %add3A_242 : vector<16xi32>
      %gather3A_244 = tpu.vector_load_idx %arg11[%add3A_243] : memref<152xi32, #tpu.memory_space<vmem>>[vector<16xi32>], vector<16xi32>,
      %gather3A_245 = tpu.vector_load_idx %arg12[%add3A_243] : memref<152xi32, #tpu.memory_space<vmem>>[vector<16xi32>], vector<16xi32>,
      %swap3A_246 = arith.constant 16 : index
      %swap3A_247 = tpu.vector_load %arg13[%swap3A_246] {strides = array<i32>} : memref<128xi32, #tpu.memory_space<vmem>>, vector<16xi32>,
      tpu.vector_store %arg13[%swap3A_246], %gather3A_245 {strides = array<i32>} : memref<128xi32, #tpu.memory_space<vmem>>, vector<16xi32>,
      %mul3A_248 = arith.constant 16 : i32
      %mul3A_249 = vector.broadcast %mul3A_248 : i32 to vector<16xi32>
      %mul3A_250 = arith.muli %gather3A_244, %mul3A_249 : vector<16xi32>
      %shift_right_arithmetic3A_251 = arith.constant 7 : i32
      %shift_right_arithmetic3A_252 = vector.broadcast %shift_right_arithmetic3A_251 : i32 to vector<16xi32>
      %shift_right_arithmetic3A_253 = arith.shrsi %gather3A_245, %shift_right_arithmetic3A_252 : vector<16xi32>
      %add3A_254 = arith.addi %mul3A_250, %shift_right_arithmetic3A_253 : vector<16xi32>
      %swap3A_255 = arith.constant 16 : index
      %swap3A_256 = tpu.vector_load %arg14[%swap3A_255] {strides = array<i32>} : memref<128xi32, #tpu.memory_space<vmem>>, vector<16xi32>,
      tpu.vector_store %arg14[%swap3A_255], %add3A_254 {strides = array<i32>} : memref<128xi32, #tpu.memory_space<vmem>>, vector<16xi32>,
      %add3A_257 = arith.constant 32 : i32
      %add3A_258 = arith.addi %select_n3A_153, %add3A_257 : i32
      %add3A_259 = vector.broadcast %add3A_258 : i32 to vector<16xi32>
      %add3A_260 = arith.addi %iota3A, %add3A_259 : vector<16xi32>
      %gather3A_261 = tpu.vector_load_idx %arg11[%add3A_260] : memref<152xi32, #tpu.memory_space<vmem>>[vector<16xi32>], vector<16xi32>,
      %gather3A_262 = tpu.vector_load_idx %arg12[%add3A_260] : memref<152xi32, #tpu.memory_space<vmem>>[vector<16xi32>], vector<16xi32>,
      %swap3A_263 = arith.constant 32 : index
      %swap3A_264 = tpu.vector_load %arg13[%swap3A_263] {strides = array<i32>} : memref<128xi32, #tpu.memory_space<vmem>>, vector<16xi32>,
      tpu.vector_store %arg13[%swap3A_263], %gather3A_262 {strides = array<i32>} : memref<128xi32, #tpu.memory_space<vmem>>, vector<16xi32>,
      %mul3A_265 = arith.constant 16 : i32
      %mul3A_266 = vector.broadcast %mul3A_265 : i32 to vector<16xi32>
      %mul3A_267 = arith.muli %gather3A_261, %mul3A_266 : vector<16xi32>
      %shift_right_arithmetic3A_268 = arith.constant 7 : i32
      %shift_right_arithmetic3A_269 = vector.broadcast %shift_right_arithmetic3A_268 : i32 to vector<16xi32>
      %shift_right_arithmetic3A_270 = arith.shrsi %gather3A_262, %shift_right_arithmetic3A_269 : vector<16xi32>
      %add3A_271 = arith.addi %mul3A_267, %shift_right_arithmetic3A_270 : vector<16xi32>
      %swap3A_272 = arith.constant 32 : index
      %swap3A_273 = tpu.vector_load %arg14[%swap3A_272] {strides = array<i32>} : memref<128xi32, #tpu.memory_space<vmem>>, vector<16xi32>,
      tpu.vector_store %arg14[%swap3A_272], %add3A_271 {strides = array<i32>} : memref<128xi32, #tpu.memory_space<vmem>>, vector<16xi32>,
      %add3A_274 = arith.constant 48 : i32
      %add3A_275 = arith.addi %select_n3A_153, %add3A_274 : i32
      %add3A_276 = vector.broadcast %add3A_275 : i32 to vector<16xi32>
      %add3A_277 = arith.addi %iota3A, %add3A_276 : vector<16xi32>
      %gather3A_278 = tpu.vector_load_idx %arg11[%add3A_277] : memref<152xi32, #tpu.memory_space<vmem>>[vector<16xi32>], vector<16xi32>,
      %gather3A_279 = tpu.vector_load_idx %arg12[%add3A_277] : memref<152xi32, #tpu.memory_space<vmem>>[vector<16xi32>], vector<16xi32>,
      %swap3A_280 = arith.constant 48 : index
      %swap3A_281 = tpu.vector_load %arg13[%swap3A_280] {strides = array<i32>} : memref<128xi32, #tpu.memory_space<vmem>>, vector<16xi32>,
      tpu.vector_store %arg13[%swap3A_280], %gather3A_279 {strides = array<i32>} : memref<128xi32, #tpu.memory_space<vmem>>, vector<16xi32>,
      %mul3A_282 = arith.constant 16 : i32
      %mul3A_283 = vector.broadcast %mul3A_282 : i32 to vector<16xi32>
      %mul3A_284 = arith.muli %gather3A_278, %mul3A_283 : vector<16xi32>
      %shift_right_arithmetic3A_285 = arith.constant 7 : i32
      %shift_right_arithmetic3A_286 = vector.broadcast %shift_right_arithmetic3A_285 : i32 to vector<16xi32>
      %shift_right_arithmetic3A_287 = arith.shrsi %gather3A_279, %shift_right_arithmetic3A_286 : vector<16xi32>
      %add3A_288 = arith.addi %mul3A_284, %shift_right_arithmetic3A_287 : vector<16xi32>
      %swap3A_289 = arith.constant 48 : index
      %swap3A_290 = tpu.vector_load %arg14[%swap3A_289] {strides = array<i32>} : memref<128xi32, #tpu.memory_space<vmem>>, vector<16xi32>,
      tpu.vector_store %arg14[%swap3A_289], %add3A_288 {strides = array<i32>} : memref<128xi32, #tpu.memory_space<vmem>>, vector<16xi32>,
      %add3A_291 = arith.constant 64 : i32
      %add3A_292 = arith.addi %select_n3A_153, %add3A_291 : i32
      %add3A_293 = vector.broadcast %add3A_292 : i32 to vector<16xi32>
      %add3A_294 = arith.addi %iota3A, %add3A_293 : vector<16xi32>
      %gather3A_295 = tpu.vector_load_idx %arg11[%add3A_294] : memref<152xi32, #tpu.memory_space<vmem>>[vector<16xi32>], vector<16xi32>,
      %gather3A_296 = tpu.vector_load_idx %arg12[%add3A_294] : memref<152xi32, #tpu.memory_space<vmem>>[vector<16xi32>], vector<16xi32>,
      %swap3A_297 = arith.constant 64 : index
      %swap3A_298 = tpu.vector_load %arg13[%swap3A_297] {strides = array<i32>} : memref<128xi32, #tpu.memory_space<vmem>>, vector<16xi32>,
      tpu.vector_store %arg13[%swap3A_297], %gather3A_296 {strides = array<i32>} : memref<128xi32, #tpu.memory_space<vmem>>, vector<16xi32>,
      %mul3A_299 = arith.constant 16 : i32
      %mul3A_300 = vector.broadcast %mul3A_299 : i32 to vector<16xi32>
      %mul3A_301 = arith.muli %gather3A_295, %mul3A_300 : vector<16xi32>
      %shift_right_arithmetic3A_302 = arith.constant 7 : i32
      %shift_right_arithmetic3A_303 = vector.broadcast %shift_right_arithmetic3A_302 : i32 to vector<16xi32>
      %shift_right_arithmetic3A_304 = arith.shrsi %gather3A_296, %shift_right_arithmetic3A_303 : vector<16xi32>
      %add3A_305 = arith.addi %mul3A_301, %shift_right_arithmetic3A_304 : vector<16xi32>
      %swap3A_306 = arith.constant 64 : index
      %swap3A_307 = tpu.vector_load %arg14[%swap3A_306] {strides = array<i32>} : memref<128xi32, #tpu.memory_space<vmem>>, vector<16xi32>,
      tpu.vector_store %arg14[%swap3A_306], %add3A_305 {strides = array<i32>} : memref<128xi32, #tpu.memory_space<vmem>>, vector<16xi32>,
      %add3A_308 = arith.constant 80 : i32
      %add3A_309 = arith.addi %select_n3A_153, %add3A_308 : i32
      %add3A_310 = vector.broadcast %add3A_309 : i32 to vector<16xi32>
      %add3A_311 = arith.addi %iota3A, %add3A_310 : vector<16xi32>
      %gather3A_312 = tpu.vector_load_idx %arg11[%add3A_311] : memref<152xi32, #tpu.memory_space<vmem>>[vector<16xi32>], vector<16xi32>,
      %gather3A_313 = tpu.vector_load_idx %arg12[%add3A_311] : memref<152xi32, #tpu.memory_space<vmem>>[vector<16xi32>], vector<16xi32>,
      %swap3A_314 = arith.constant 80 : index
      %swap3A_315 = tpu.vector_load %arg13[%swap3A_314] {strides = array<i32>} : memref<128xi32, #tpu.memory_space<vmem>>, vector<16xi32>,
      tpu.vector_store %arg13[%swap3A_314], %gather3A_313 {strides = array<i32>} : memref<128xi32, #tpu.memory_space<vmem>>, vector<16xi32>,
      %mul3A_316 = arith.constant 16 : i32
      %mul3A_317 = vector.broadcast %mul3A_316 : i32 to vector<16xi32>
      %mul3A_318 = arith.muli %gather3A_312, %mul3A_317 : vector<16xi32>
      %shift_right_arithmetic3A_319 = arith.constant 7 : i32
      %shift_right_arithmetic3A_320 = vector.broadcast %shift_right_arithmetic3A_319 : i32 to vector<16xi32>
      %shift_right_arithmetic3A_321 = arith.shrsi %gather3A_313, %shift_right_arithmetic3A_320 : vector<16xi32>
      %add3A_322 = arith.addi %mul3A_318, %shift_right_arithmetic3A_321 : vector<16xi32>
      %swap3A_323 = arith.constant 80 : index
      %swap3A_324 = tpu.vector_load %arg14[%swap3A_323] {strides = array<i32>} : memref<128xi32, #tpu.memory_space<vmem>>, vector<16xi32>,
      tpu.vector_store %arg14[%swap3A_323], %add3A_322 {strides = array<i32>} : memref<128xi32, #tpu.memory_space<vmem>>, vector<16xi32>,
      %add3A_325 = arith.constant 96 : i32
      %add3A_326 = arith.addi %select_n3A_153, %add3A_325 : i32
      %add3A_327 = vector.broadcast %add3A_326 : i32 to vector<16xi32>
      %add3A_328 = arith.addi %iota3A, %add3A_327 : vector<16xi32>
      %gather3A_329 = tpu.vector_load_idx %arg11[%add3A_328] : memref<152xi32, #tpu.memory_space<vmem>>[vector<16xi32>], vector<16xi32>,
      %gather3A_330 = tpu.vector_load_idx %arg12[%add3A_328] : memref<152xi32, #tpu.memory_space<vmem>>[vector<16xi32>], vector<16xi32>,
      %swap3A_331 = arith.constant 96 : index
      %swap3A_332 = tpu.vector_load %arg13[%swap3A_331] {strides = array<i32>} : memref<128xi32, #tpu.memory_space<vmem>>, vector<16xi32>,
      tpu.vector_store %arg13[%swap3A_331], %gather3A_330 {strides = array<i32>} : memref<128xi32, #tpu.memory_space<vmem>>, vector<16xi32>,
      %mul3A_333 = arith.constant 16 : i32
      %mul3A_334 = vector.broadcast %mul3A_333 : i32 to vector<16xi32>
      %mul3A_335 = arith.muli %gather3A_329, %mul3A_334 : vector<16xi32>
      %shift_right_arithmetic3A_336 = arith.constant 7 : i32
      %shift_right_arithmetic3A_337 = vector.broadcast %shift_right_arithmetic3A_336 : i32 to vector<16xi32>
      %shift_right_arithmetic3A_338 = arith.shrsi %gather3A_330, %shift_right_arithmetic3A_337 : vector<16xi32>
      %add3A_339 = arith.addi %mul3A_335, %shift_right_arithmetic3A_338 : vector<16xi32>
      %swap3A_340 = arith.constant 96 : index
      %swap3A_341 = tpu.vector_load %arg14[%swap3A_340] {strides = array<i32>} : memref<128xi32, #tpu.memory_space<vmem>>, vector<16xi32>,
      tpu.vector_store %arg14[%swap3A_340], %add3A_339 {strides = array<i32>} : memref<128xi32, #tpu.memory_space<vmem>>, vector<16xi32>,
      %add3A_342 = arith.constant 112 : i32
      %add3A_343 = arith.addi %select_n3A_153, %add3A_342 : i32
      %add3A_344 = vector.broadcast %add3A_343 : i32 to vector<16xi32>
      %add3A_345 = arith.addi %iota3A, %add3A_344 : vector<16xi32>
      %gather3A_346 = tpu.vector_load_idx %arg11[%add3A_345] : memref<152xi32, #tpu.memory_space<vmem>>[vector<16xi32>], vector<16xi32>,
      %gather3A_347 = tpu.vector_load_idx %arg12[%add3A_345] : memref<152xi32, #tpu.memory_space<vmem>>[vector<16xi32>], vector<16xi32>,
      %swap3A_348 = arith.constant 112 : index
      %swap3A_349 = tpu.vector_load %arg13[%swap3A_348] {strides = array<i32>} : memref<128xi32, #tpu.memory_space<vmem>>, vector<16xi32>,
      tpu.vector_store %arg13[%swap3A_348], %gather3A_347 {strides = array<i32>} : memref<128xi32, #tpu.memory_space<vmem>>, vector<16xi32>,
      %mul3A_350 = arith.constant 16 : i32
      %mul3A_351 = vector.broadcast %mul3A_350 : i32 to vector<16xi32>
      %mul3A_352 = arith.muli %gather3A_346, %mul3A_351 : vector<16xi32>
      %shift_right_arithmetic3A_353 = arith.constant 7 : i32
      %shift_right_arithmetic3A_354 = vector.broadcast %shift_right_arithmetic3A_353 : i32 to vector<16xi32>
      %shift_right_arithmetic3A_355 = arith.shrsi %gather3A_347, %shift_right_arithmetic3A_354 : vector<16xi32>
      %add3A_356 = arith.addi %mul3A_352, %shift_right_arithmetic3A_355 : vector<16xi32>
      %swap3A_357 = arith.constant 112 : index
      %swap3A_358 = tpu.vector_load %arg14[%swap3A_357] {strides = array<i32>} : memref<128xi32, #tpu.memory_space<vmem>>, vector<16xi32>,
      tpu.vector_store %arg14[%swap3A_357], %add3A_356 {strides = array<i32>} : memref<128xi32, #tpu.memory_space<vmem>>, vector<16xi32>,
      %dma_start3A_359 = arith.constant 0 : i32
      %dma_start3A_360 = arith.constant 0 : i32
      %dma_start3A_361 = tpu.memref_slice %arg6[%dma_start3A_359, %dma_start3A_360] : memref<2048x128xf32, #tpu.memory_space<hbm>> -> memref<2048x128xf32, #tpu.memory_space<hbm>>
      tpu.enqueue_indirect_dma source(%dma_start3A_361 : memref<2048x128xf32, #tpu.memory_space<hbm>>) target(%arg15 : memref<128x128xf32, #tpu.memory_space<vmem>>) offsets(%arg13 : memref<128xi32, #tpu.memory_space<vmem>>) semaphore(%arg20 : memref<!tpu.dma_semaphore, #tpu.memory_space<semaphore_mem>>)
      %dma_start3A_362 = arith.constant 0 : i32
      %dma_start3A_363 = arith.constant 0 : i32
      %dma_start3A_364 = tpu.memref_slice %arg7[%dma_start3A_362, %dma_start3A_363] : memref<32768x512xf32, #tpu.memory_space<hbm>> -> memref<32768x512xf32, #tpu.memory_space<hbm>>
      tpu.enqueue_indirect_dma source(%dma_start3A_364 : memref<32768x512xf32, #tpu.memory_space<hbm>>) target(%arg16 : memref<128x512xf32, #tpu.memory_space<vmem>>) offsets(%arg14 : memref<128xi32, #tpu.memory_space<vmem>>) semaphore(%arg21 : memref<!tpu.dma_semaphore, #tpu.memory_space<semaphore_mem>>)
      %dma_wait3A_365 = arith.constant 0 : i32
      %dma_wait3A_366 = arith.constant 0 : i32
      %dma_wait3A_367 = tpu.memref_slice %arg6[%dma_wait3A_365, %dma_wait3A_366] : memref<2048x128xf32, #tpu.memory_space<hbm>> -> memref<2048x128xf32, #tpu.memory_space<hbm>>
      tpu.wait_indirect_dma semaphore(%arg20 : memref<!tpu.dma_semaphore, #tpu.memory_space<semaphore_mem>>) src(%dma_wait3A_367 : memref<2048x128xf32, #tpu.memory_space<hbm>>) dst(%arg15 : memref<128x128xf32, #tpu.memory_space<vmem>>)
      %dma_wait3A_368 = arith.constant 0 : i32
      %dma_wait3A_369 = arith.constant 0 : i32
      %dma_wait3A_370 = tpu.memref_slice %arg7[%dma_wait3A_368, %dma_wait3A_369] : memref<32768x512xf32, #tpu.memory_space<hbm>> -> memref<32768x512xf32, #tpu.memory_space<hbm>>
      tpu.wait_indirect_dma semaphore(%arg21 : memref<!tpu.dma_semaphore, #tpu.memory_space<semaphore_mem>>) src(%dma_wait3A_370 : memref<32768x512xf32, #tpu.memory_space<hbm>>) dst(%arg16 : memref<128x512xf32, #tpu.memory_space<vmem>>)
      %mul3A_371 = arith.constant 128 : i32
      %mul3A_372 = arith.muli %while3A_199, %mul3A_371 : i32
      %sub3A_373 = arith.subi %sub3A, %mul3A_372 : i32
      %min3A = arith.constant 128 : i32
      %min3A_374 = arith.minsi %sub3A_373, %min3A : i32
      %while3A_375 = arith.constant 0 : i32
      %while3A_376 = scf.while (%while3A_378 = %while3A_375) : (i32) -> i32 {
        %lt3A_379 = arith.cmpi slt, %while3A_378, %min3A_374 : i32
        scf.condition(%lt3A_379) %while3A_378 : i32
      } do {
      ^bb0(%while3A_378: i32):
        %add3A_379 = arith.addi %select_n3A_153, %while3A_378 : i32
        %get3A_380 = arith.index_cast %add3A_379 : i32 to index
        %get3A_381 = tpu.vector_load %arg11[%get3A_380] {strides = array<i32>} : memref<152xi32, #tpu.memory_space<vmem>>, vector<16xi32>,
        %slice3A_382 = vector.extract_strided_slice %get3A_381 {offsets = [0], sizes = [1], strides = [1]} : vector<16xi32> to vector<1xi32>
        %squeeze3A_383 = vector.extract %slice3A_382[0] : i32 from vector<1xi32>
        %sub3A_384 = arith.subi %squeeze3A_383, %mul3A_2 : i32
        %get3A_385 = arith.index_cast %sub3A_384 : i32 to index
        %get3A_386 = arith.constant 0 : index
        %get3A_387 = tpu.vector_load %arg19[%get3A_385, %get3A_386] {strides = array<i32>} : memref<64x128xf32, #tpu.memory_space<vmem>>, vector<16xf32>,
        %get3A_388 = arith.index_cast %sub3A_384 : i32 to index
        %get3A_389 = arith.constant 16 : index
        %get3A_390 = tpu.vector_load %arg19[%get3A_388, %get3A_389] {strides = array<i32>} : memref<64x128xf32, #tpu.memory_space<vmem>>, vector<16xf32>,
        %get3A_391 = arith.index_cast %sub3A_384 : i32 to index
        %get3A_392 = arith.constant 32 : index
        %get3A_393 = tpu.vector_load %arg19[%get3A_391, %get3A_392] {strides = array<i32>} : memref<64x128xf32, #tpu.memory_space<vmem>>, vector<16xf32>,
        %get3A_394 = arith.index_cast %sub3A_384 : i32 to index
        %get3A_395 = arith.constant 48 : index
        %get3A_396 = tpu.vector_load %arg19[%get3A_394, %get3A_395] {strides = array<i32>} : memref<64x128xf32, #tpu.memory_space<vmem>>, vector<16xf32>,
        %get3A_397 = arith.index_cast %sub3A_384 : i32 to index
        %get3A_398 = arith.constant 64 : index
        %get3A_399 = tpu.vector_load %arg19[%get3A_397, %get3A_398] {strides = array<i32>} : memref<64x128xf32, #tpu.memory_space<vmem>>, vector<16xf32>,
        %get3A_400 = arith.index_cast %sub3A_384 : i32 to index
        %get3A_401 = arith.constant 80 : index
        %get3A_402 = tpu.vector_load %arg19[%get3A_400, %get3A_401] {strides = array<i32>} : memref<64x128xf32, #tpu.memory_space<vmem>>, vector<16xf32>,
        %get3A_403 = arith.index_cast %sub3A_384 : i32 to index
        %get3A_404 = arith.constant 96 : index
        %get3A_405 = tpu.vector_load %arg19[%get3A_403, %get3A_404] {strides = array<i32>} : memref<64x128xf32, #tpu.memory_space<vmem>>, vector<16xf32>,
        %get3A_406 = arith.index_cast %sub3A_384 : i32 to index
        %get3A_407 = arith.constant 112 : index
        %get3A_408 = tpu.vector_load %arg19[%get3A_406, %get3A_407] {strides = array<i32>} : memref<64x128xf32, #tpu.memory_space<vmem>>, vector<16xf32>,
        %while3A_409:9 = scf.while (%while3A_434 = %while3A_378, %while3A_435 = %get3A_387, %while3A_436 = %get3A_390, %while3A_437 = %get3A_393, %while3A_438 = %get3A_396, %while3A_439 = %get3A_399, %while3A_440 = %get3A_402, %while3A_441 = %get3A_405, %while3A_442 = %get3A_408) : (i32, vector<16xf32>, vector<16xf32>, vector<16xf32>, vector<16xf32>, vector<16xf32>, vector<16xf32>, vector<16xf32>, vector<16xf32>) -> (i32, vector<16xf32>, vector<16xf32>, vector<16xf32>, vector<16xf32>, vector<16xf32>, vector<16xf32>, vector<16xf32>, vector<16xf32>) {
          %lt3A_443 = arith.cmpi slt, %while3A_434, %min3A_374 : i32
          %add3A_444 = arith.addi %select_n3A_153, %while3A_434 : i32
          %get3A_445 = arith.index_cast %add3A_444 : i32 to index
          %get3A_446 = tpu.vector_load %arg11[%get3A_445] {strides = array<i32>} : memref<152xi32, #tpu.memory_space<vmem>>, vector<16xi32>,
          %slice3A_447 = vector.extract_strided_slice %get3A_446 {offsets = [0], sizes = [1], strides = [1]} : vector<16xi32> to vector<1xi32>
          %squeeze3A_448 = vector.extract %slice3A_447[0] : i32 from vector<1xi32>
          %eq3A_449 = arith.cmpi eq, %squeeze3A_448, %squeeze3A_383 : i32
          %and3A_450 = arith.andi %lt3A_443, %eq3A_449 : i1
          scf.condition(%and3A_450) %while3A_434, %while3A_435, %while3A_436, %while3A_437, %while3A_438, %while3A_439, %while3A_440, %while3A_441, %while3A_442 : i32, vector<16xf32>, vector<16xf32>, vector<16xf32>, vector<16xf32>, vector<16xf32>, vector<16xf32>, vector<16xf32>, vector<16xf32>
        } do {
        ^bb0(%while3A_434: i32, %while3A_435: vector<16xf32>, %while3A_436: vector<16xf32>, %while3A_437: vector<16xf32>, %while3A_438: vector<16xf32>, %while3A_439: vector<16xf32>, %while3A_440: vector<16xf32>, %while3A_441: vector<16xf32>, %while3A_442: vector<16xf32>):
          %add3A_443 = arith.addi %select_n3A_153, %while3A_434 : i32
          %get3A_444 = arith.index_cast %add3A_443 : i32 to index
          %get3A_445 = tpu.vector_load %arg12[%get3A_444] {strides = array<i32>} : memref<152xi32, #tpu.memory_space<vmem>>, vector<16xi32>,
          %slice3A_446 = vector.extract_strided_slice %get3A_445 {offsets = [0], sizes = [1], strides = [1]} : vector<16xi32> to vector<1xi32>
          %squeeze3A_447 = vector.extract %slice3A_446[0] : i32 from vector<1xi32>
          %and3A_448 = arith.constant 127 : i32
          %and3A_449 = arith.andi %squeeze3A_447, %and3A_448 : i32
          %broadcast_in_dim3A_450 = vector.broadcast %while3A_434 : i32 to vector<16xi32>
          %broadcast_in_dim3A_451 = arith.constant 0 : i32
          %broadcast_in_dim3A_452 = vector.broadcast %broadcast_in_dim3A_451 : i32 to vector<16xi32>
          %add3A_453 = vector.broadcast %and3A_449 : i32 to vector<16xi32>
          %add3A_454 = arith.addi %broadcast_in_dim3A_452, %add3A_453 : vector<16xi32>
          %gather3A_455 = tpu.vector_load_idx %arg16[%broadcast_in_dim3A_450, %add3A_454] : memref<128x512xf32, #tpu.memory_space<vmem>>[vector<16xi32>, vector<16xi32>], vector<16xf32>,
          %broadcast_in_dim3A_456 = arith.constant 128 : i32
          %broadcast_in_dim3A_457 = vector.broadcast %broadcast_in_dim3A_456 : i32 to vector<16xi32>
          %add3A_458 = vector.broadcast %and3A_449 : i32 to vector<16xi32>
          %add3A_459 = arith.addi %broadcast_in_dim3A_457, %add3A_458 : vector<16xi32>
          %gather3A_460 = tpu.vector_load_idx %arg16[%broadcast_in_dim3A_450, %add3A_459] : memref<128x512xf32, #tpu.memory_space<vmem>>[vector<16xi32>, vector<16xi32>], vector<16xf32>,
          %broadcast_in_dim3A_461 = arith.constant 256 : i32
          %broadcast_in_dim3A_462 = vector.broadcast %broadcast_in_dim3A_461 : i32 to vector<16xi32>
          %add3A_463 = vector.broadcast %and3A_449 : i32 to vector<16xi32>
          %add3A_464 = arith.addi %broadcast_in_dim3A_462, %add3A_463 : vector<16xi32>
          %gather3A_465 = tpu.vector_load_idx %arg16[%broadcast_in_dim3A_450, %add3A_464] : memref<128x512xf32, #tpu.memory_space<vmem>>[vector<16xi32>, vector<16xi32>], vector<16xf32>,
          %broadcast_in_dim3A_466 = arith.constant 384 : i32
          %broadcast_in_dim3A_467 = vector.broadcast %broadcast_in_dim3A_466 : i32 to vector<16xi32>
          %add3A_468 = vector.broadcast %and3A_449 : i32 to vector<16xi32>
          %add3A_469 = arith.addi %broadcast_in_dim3A_467, %add3A_468 : vector<16xi32>
          %gather3A_470 = tpu.vector_load_idx %arg16[%broadcast_in_dim3A_450, %add3A_469] : memref<128x512xf32, #tpu.memory_space<vmem>>[vector<16xi32>, vector<16xi32>], vector<16xf32>,
          %get3A_471 = arith.index_cast %while3A_434 : i32 to index
          %get3A_472 = arith.constant 0 : index
          %get3A_473 = tpu.vector_load %arg15[%get3A_471, %get3A_472] {strides = array<i32>} : memref<128x128xf32, #tpu.memory_space<vmem>>, vector<16xf32>,
          %mul3A_474 = arith.mulf %gather3A_455, %get3A_5 : vector<16xf32>
          %add3A_475 = arith.addf %get3A_473, %mul3A_474 : vector<16xf32>
          %mul3A_476 = arith.mulf %gather3A_460, %get3A_37 : vector<16xf32>
          %add3A_477 = arith.addf %add3A_475, %mul3A_476 : vector<16xf32>
          %mul3A_478 = arith.mulf %gather3A_465, %get3A_69 : vector<16xf32>
          %add3A_479 = arith.addf %add3A_477, %mul3A_478 : vector<16xf32>
          %mul3A_480 = arith.mulf %gather3A_470, %get3A_101 : vector<16xf32>
          %add3A_481 = arith.addf %add3A_479, %mul3A_480 : vector<16xf32>
          %max3A = arith.maximumf %while3A_435, %add3A_481 : vector<16xf32>
          %get3A_482 = arith.index_cast %while3A_434 : i32 to index
          %get3A_483 = arith.constant 16 : index
          %get3A_484 = tpu.vector_load %arg15[%get3A_482, %get3A_483] {strides = array<i32>} : memref<128x128xf32, #tpu.memory_space<vmem>>, vector<16xf32>,
          %mul3A_485 = arith.mulf %gather3A_455, %get3A_9 : vector<16xf32>
          %add3A_486 = arith.addf %get3A_484, %mul3A_485 : vector<16xf32>
          %mul3A_487 = arith.mulf %gather3A_460, %get3A_41 : vector<16xf32>
          %add3A_488 = arith.addf %add3A_486, %mul3A_487 : vector<16xf32>
          %mul3A_489 = arith.mulf %gather3A_465, %get3A_73 : vector<16xf32>
          %add3A_490 = arith.addf %add3A_488, %mul3A_489 : vector<16xf32>
          %mul3A_491 = arith.mulf %gather3A_470, %get3A_105 : vector<16xf32>
          %add3A_492 = arith.addf %add3A_490, %mul3A_491 : vector<16xf32>
          %max3A_493 = arith.maximumf %while3A_436, %add3A_492 : vector<16xf32>
          %get3A_494 = arith.index_cast %while3A_434 : i32 to index
          %get3A_495 = arith.constant 32 : index
          %get3A_496 = tpu.vector_load %arg15[%get3A_494, %get3A_495] {strides = array<i32>} : memref<128x128xf32, #tpu.memory_space<vmem>>, vector<16xf32>,
          %mul3A_497 = arith.mulf %gather3A_455, %get3A_13 : vector<16xf32>
          %add3A_498 = arith.addf %get3A_496, %mul3A_497 : vector<16xf32>
          %mul3A_499 = arith.mulf %gather3A_460, %get3A_45 : vector<16xf32>
          %add3A_500 = arith.addf %add3A_498, %mul3A_499 : vector<16xf32>
          %mul3A_501 = arith.mulf %gather3A_465, %get3A_77 : vector<16xf32>
          %add3A_502 = arith.addf %add3A_500, %mul3A_501 : vector<16xf32>
          %mul3A_503 = arith.mulf %gather3A_470, %get3A_109 : vector<16xf32>
          %add3A_504 = arith.addf %add3A_502, %mul3A_503 : vector<16xf32>
          %max3A_505 = arith.maximumf %while3A_437, %add3A_504 : vector<16xf32>
          %get3A_506 = arith.index_cast %while3A_434 : i32 to index
          %get3A_507 = arith.constant 48 : index
          %get3A_508 = tpu.vector_load %arg15[%get3A_506, %get3A_507] {strides = array<i32>} : memref<128x128xf32, #tpu.memory_space<vmem>>, vector<16xf32>,
          %mul3A_509 = arith.mulf %gather3A_455, %get3A_17 : vector<16xf32>
          %add3A_510 = arith.addf %get3A_508, %mul3A_509 : vector<16xf32>
          %mul3A_511 = arith.mulf %gather3A_460, %get3A_49 : vector<16xf32>
          %add3A_512 = arith.addf %add3A_510, %mul3A_511 : vector<16xf32>
          %mul3A_513 = arith.mulf %gather3A_465, %get3A_81 : vector<16xf32>
          %add3A_514 = arith.addf %add3A_512, %mul3A_513 : vector<16xf32>
          %mul3A_515 = arith.mulf %gather3A_470, %get3A_113 : vector<16xf32>
          %add3A_516 = arith.addf %add3A_514, %mul3A_515 : vector<16xf32>
          %max3A_517 = arith.maximumf %while3A_438, %add3A_516 : vector<16xf32>
          %get3A_518 = arith.index_cast %while3A_434 : i32 to index
          %get3A_519 = arith.constant 64 : index
          %get3A_520 = tpu.vector_load %arg15[%get3A_518, %get3A_519] {strides = array<i32>} : memref<128x128xf32, #tpu.memory_space<vmem>>, vector<16xf32>,
          %mul3A_521 = arith.mulf %gather3A_455, %get3A_21 : vector<16xf32>
          %add3A_522 = arith.addf %get3A_520, %mul3A_521 : vector<16xf32>
          %mul3A_523 = arith.mulf %gather3A_460, %get3A_53 : vector<16xf32>
          %add3A_524 = arith.addf %add3A_522, %mul3A_523 : vector<16xf32>
          %mul3A_525 = arith.mulf %gather3A_465, %get3A_85 : vector<16xf32>
          %add3A_526 = arith.addf %add3A_524, %mul3A_525 : vector<16xf32>
          %mul3A_527 = arith.mulf %gather3A_470, %get3A_117 : vector<16xf32>
          %add3A_528 = arith.addf %add3A_526, %mul3A_527 : vector<16xf32>
          %max3A_529 = arith.maximumf %while3A_439, %add3A_528 : vector<16xf32>
          %get3A_530 = arith.index_cast %while3A_434 : i32 to index
          %get3A_531 = arith.constant 80 : index
          %get3A_532 = tpu.vector_load %arg15[%get3A_530, %get3A_531] {strides = array<i32>} : memref<128x128xf32, #tpu.memory_space<vmem>>, vector<16xf32>,
          %mul3A_533 = arith.mulf %gather3A_455, %get3A_25 : vector<16xf32>
          %add3A_534 = arith.addf %get3A_532, %mul3A_533 : vector<16xf32>
          %mul3A_535 = arith.mulf %gather3A_460, %get3A_57 : vector<16xf32>
          %add3A_536 = arith.addf %add3A_534, %mul3A_535 : vector<16xf32>
          %mul3A_537 = arith.mulf %gather3A_465, %get3A_89 : vector<16xf32>
          %add3A_538 = arith.addf %add3A_536, %mul3A_537 : vector<16xf32>
          %mul3A_539 = arith.mulf %gather3A_470, %get3A_121 : vector<16xf32>
          %add3A_540 = arith.addf %add3A_538, %mul3A_539 : vector<16xf32>
          %max3A_541 = arith.maximumf %while3A_440, %add3A_540 : vector<16xf32>
          %get3A_542 = arith.index_cast %while3A_434 : i32 to index
          %get3A_543 = arith.constant 96 : index
          %get3A_544 = tpu.vector_load %arg15[%get3A_542, %get3A_543] {strides = array<i32>} : memref<128x128xf32, #tpu.memory_space<vmem>>, vector<16xf32>,
          %mul3A_545 = arith.mulf %gather3A_455, %get3A_29 : vector<16xf32>
          %add3A_546 = arith.addf %get3A_544, %mul3A_545 : vector<16xf32>
          %mul3A_547 = arith.mulf %gather3A_460, %get3A_61 : vector<16xf32>
          %add3A_548 = arith.addf %add3A_546, %mul3A_547 : vector<16xf32>
          %mul3A_549 = arith.mulf %gather3A_465, %get3A_93 : vector<16xf32>
          %add3A_550 = arith.addf %add3A_548, %mul3A_549 : vector<16xf32>
          %mul3A_551 = arith.mulf %gather3A_470, %get3A_125 : vector<16xf32>
          %add3A_552 = arith.addf %add3A_550, %mul3A_551 : vector<16xf32>
          %max3A_553 = arith.maximumf %while3A_441, %add3A_552 : vector<16xf32>
          %get3A_554 = arith.index_cast %while3A_434 : i32 to index
          %get3A_555 = arith.constant 112 : index
          %get3A_556 = tpu.vector_load %arg15[%get3A_554, %get3A_555] {strides = array<i32>} : memref<128x128xf32, #tpu.memory_space<vmem>>, vector<16xf32>,
          %mul3A_557 = arith.mulf %gather3A_455, %get3A_33 : vector<16xf32>
          %add3A_558 = arith.addf %get3A_556, %mul3A_557 : vector<16xf32>
          %mul3A_559 = arith.mulf %gather3A_460, %get3A_65 : vector<16xf32>
          %add3A_560 = arith.addf %add3A_558, %mul3A_559 : vector<16xf32>
          %mul3A_561 = arith.mulf %gather3A_465, %get3A_97 : vector<16xf32>
          %add3A_562 = arith.addf %add3A_560, %mul3A_561 : vector<16xf32>
          %mul3A_563 = arith.mulf %gather3A_470, %get3A_129 : vector<16xf32>
          %add3A_564 = arith.addf %add3A_562, %mul3A_563 : vector<16xf32>
          %max3A_565 = arith.maximumf %while3A_442, %add3A_564 : vector<16xf32>
          %add3A_566 = arith.constant 1 : i32
          %add3A_567 = arith.addi %while3A_434, %add3A_566 : i32
          scf.yield %add3A_567, %max3A, %max3A_493, %max3A_505, %max3A_517, %max3A_529, %max3A_541, %max3A_553, %max3A_565 : i32, vector<16xf32>, vector<16xf32>, vector<16xf32>, vector<16xf32>, vector<16xf32>, vector<16xf32>, vector<16xf32>, vector<16xf32>
        }
        %swap3A_410 = arith.index_cast %sub3A_384 : i32 to index
        %swap3A_411 = arith.constant 0 : index
        %swap3A_412 = tpu.vector_load %arg19[%swap3A_410, %swap3A_411] {strides = array<i32>} : memref<64x128xf32, #tpu.memory_space<vmem>>, vector<16xf32>,
        tpu.vector_store %arg19[%swap3A_410, %swap3A_411], %while3A_409#1 {strides = array<i32>} : memref<64x128xf32, #tpu.memory_space<vmem>>, vector<16xf32>,
        %swap3A_413 = arith.index_cast %sub3A_384 : i32 to index
        %swap3A_414 = arith.constant 16 : index
        %swap3A_415 = tpu.vector_load %arg19[%swap3A_413, %swap3A_414] {strides = array<i32>} : memref<64x128xf32, #tpu.memory_space<vmem>>, vector<16xf32>,
        tpu.vector_store %arg19[%swap3A_413, %swap3A_414], %while3A_409#2 {strides = array<i32>} : memref<64x128xf32, #tpu.memory_space<vmem>>, vector<16xf32>,
        %swap3A_416 = arith.index_cast %sub3A_384 : i32 to index
        %swap3A_417 = arith.constant 32 : index
        %swap3A_418 = tpu.vector_load %arg19[%swap3A_416, %swap3A_417] {strides = array<i32>} : memref<64x128xf32, #tpu.memory_space<vmem>>, vector<16xf32>,
        tpu.vector_store %arg19[%swap3A_416, %swap3A_417], %while3A_409#3 {strides = array<i32>} : memref<64x128xf32, #tpu.memory_space<vmem>>, vector<16xf32>,
        %swap3A_419 = arith.index_cast %sub3A_384 : i32 to index
        %swap3A_420 = arith.constant 48 : index
        %swap3A_421 = tpu.vector_load %arg19[%swap3A_419, %swap3A_420] {strides = array<i32>} : memref<64x128xf32, #tpu.memory_space<vmem>>, vector<16xf32>,
        tpu.vector_store %arg19[%swap3A_419, %swap3A_420], %while3A_409#4 {strides = array<i32>} : memref<64x128xf32, #tpu.memory_space<vmem>>, vector<16xf32>,
        %swap3A_422 = arith.index_cast %sub3A_384 : i32 to index
        %swap3A_423 = arith.constant 64 : index
        %swap3A_424 = tpu.vector_load %arg19[%swap3A_422, %swap3A_423] {strides = array<i32>} : memref<64x128xf32, #tpu.memory_space<vmem>>, vector<16xf32>,
        tpu.vector_store %arg19[%swap3A_422, %swap3A_423], %while3A_409#5 {strides = array<i32>} : memref<64x128xf32, #tpu.memory_space<vmem>>, vector<16xf32>,
        %swap3A_425 = arith.index_cast %sub3A_384 : i32 to index
        %swap3A_426 = arith.constant 80 : index
        %swap3A_427 = tpu.vector_load %arg19[%swap3A_425, %swap3A_426] {strides = array<i32>} : memref<64x128xf32, #tpu.memory_space<vmem>>, vector<16xf32>,
        tpu.vector_store %arg19[%swap3A_425, %swap3A_426], %while3A_409#6 {strides = array<i32>} : memref<64x128xf32, #tpu.memory_space<vmem>>, vector<16xf32>,
        %swap3A_428 = arith.index_cast %sub3A_384 : i32 to index
        %swap3A_429 = arith.constant 96 : index
        %swap3A_430 = tpu.vector_load %arg19[%swap3A_428, %swap3A_429] {strides = array<i32>} : memref<64x128xf32, #tpu.memory_space<vmem>>, vector<16xf32>,
        tpu.vector_store %arg19[%swap3A_428, %swap3A_429], %while3A_409#7 {strides = array<i32>} : memref<64x128xf32, #tpu.memory_space<vmem>>, vector<16xf32>,
        %swap3A_431 = arith.index_cast %sub3A_384 : i32 to index
        %swap3A_432 = arith.constant 112 : index
        %swap3A_433 = tpu.vector_load %arg19[%swap3A_431, %swap3A_432] {strides = array<i32>} : memref<64x128xf32, #tpu.memory_space<vmem>>, vector<16xf32>,
        tpu.vector_store %arg19[%swap3A_431, %swap3A_432], %while3A_409#8 {strides = array<i32>} : memref<64x128xf32, #tpu.memory_space<vmem>>, vector<16xf32>,
        scf.yield %while3A_409#0 : i32
      }
      %while3A_377 = arith.constant 0 : i32
      scf.yield %while3A_377 : i32
    }
    %scan3A_192 = arith.constant 0 : i32
    %scan3A_193 = arith.constant 0 : i32
    %scan3A_194 = arith.constant 512 : i32
    %scan3A_195 = arith.addi %scan3A_193, %scan3A_194 : i32
    %scan3A_196 = arith.constant 1 : i32
    %scan3A_197 = scf.for %scan3A_199 = %scan3A_193 to %scan3A_195 step %scan3A_196 iter_args(%scan3A_200 = %scan3A_192) -> (i32)  : i32 {
      %jit3A_201 = arith.constant 8 : i32
      %div3A_202 = arith.divsi %scan3A_199, %jit3A_201 : i32
      %sign3A_203 = arith.constant 0 : i32
      %sign3A_204 = arith.cmpi sgt, %scan3A_199, %sign3A_203 : i32
      %sign3A_205 = arith.extui %sign3A_204 : i1 to i32
      %sign3A_206 = arith.constant 0 : i32
      %sign3A_207 = arith.cmpi slt, %scan3A_199, %sign3A_206 : i32
      %sign3A_208 = arith.extui %sign3A_207 : i1 to i32
      %sign3A_209 = arith.subi %sign3A_205, %sign3A_208 : i32
      %sign3A_210 = arith.constant 0 : i32
      %sign3A_211 = arith.cmpi sgt, %jit3A_201, %sign3A_210 : i32
      %sign3A_212 = arith.extui %sign3A_211 : i1 to i32
      %sign3A_213 = arith.constant 0 : i32
      %sign3A_214 = arith.cmpi slt, %jit3A_201, %sign3A_213 : i32
      %sign3A_215 = arith.extui %sign3A_214 : i1 to i32
      %sign3A_216 = arith.subi %sign3A_212, %sign3A_215 : i32
      %ne3A_217 = arith.cmpi ne, %sign3A_209, %sign3A_216 : i32
      %rem3A_218 = arith.remsi %scan3A_199, %jit3A_201 : i32
      %ne3A_219 = arith.constant 0 : i32
      %ne3A_220 = arith.cmpi ne, %rem3A_218, %ne3A_219 : i32
      %and3A_221 = arith.andi %ne3A_217, %ne3A_220 : i1
      %sub3A_222 = arith.constant 1 : i32
      %sub3A_223 = arith.subi %div3A_202, %sub3A_222 : i32
      %select_n3A_224 = arith.select %and3A_221, %sub3A_223, %div3A_202 : i32
      %jit3A_225 = arith.constant 8 : i32
      %eq3A_226 = arith.constant 0 : i32
      %eq3A_227 = arith.cmpi eq, %jit3A_225, %eq3A_226 : i32
      %jit3A_228 = arith.constant 1 : i32
      %select_n3A_229 = arith.select %eq3A_227, %jit3A_228, %jit3A_225 : i32
      %rem3A_230 = arith.remsi %scan3A_199, %select_n3A_229 : i32
      %ne3A_231 = arith.constant 0 : i32
      %ne3A_232 = arith.cmpi ne, %rem3A_230, %ne3A_231 : i32
      %lt3A_233 = arith.constant 0 : i32
      %lt3A_234 = arith.cmpi slt, %rem3A_230, %lt3A_233 : i32
      %lt3A_235 = arith.constant 0 : i32
      %lt3A_236 = arith.cmpi slt, %select_n3A_229, %lt3A_235 : i32
      %ne3A_237 = arith.xori %lt3A_234, %lt3A_236 : i1
      %and3A_238 = arith.andi %ne3A_237, %ne3A_232 : i1
      %add3A_239 = arith.addi %rem3A_230, %select_n3A_229 : i32
      %select_n3A_240 = arith.select %and3A_238, %add3A_239, %rem3A_230 : i32
      %mul3A_241 = arith.constant 16 : i32
      %mul3A_242 = arith.muli %select_n3A_240, %mul3A_241 : i32
      %get3A_243 = arith.index_cast %select_n3A_224 : i32 to index
      %get3A_244 = arith.index_cast %mul3A_242 : i32 to index
      %get3A_245 = tpu.vector_load %arg19[%get3A_243, %get3A_244] {strides = array<i32>} : memref<64x128xf32, #tpu.memory_space<vmem>>, vector<16xf32>,
      %get3A_246 = arith.index_cast %select_n3A_224 : i32 to index
      %get3A_247 = arith.index_cast %mul3A_242 : i32 to index
      %get3A_248 = tpu.vector_load %arg17[%get3A_246, %get3A_247] {strides = array<i32>} : memref<64x128xf32, #tpu.memory_space<vmem>>, vector<16xf32>,
      %add3A_249 = arith.addf %get3A_248, %get3A_245 : vector<16xf32>
      %max3A = arith.constant 0.000000e+00 : f32
      %max3A_250 = vector.broadcast %max3A : f32 to vector<16xf32>
      %max3A_251 = arith.maximumf %add3A_249, %max3A_250 : vector<16xf32>
      %eq3A_252 = arith.cmpf oeq, %get3A_245, %broadcast_in_dim3A_130 : vector<16xf32>
      %select_n3A_253 = arith.select %eq3A_252, %get3A_245, %max3A_251 : vector<16xi1>, vector<16xf32>
      %swap3A = arith.index_cast %select_n3A_224 : i32 to index
      %swap3A_254 = arith.index_cast %mul3A_242 : i32 to index
      %swap3A_255 = tpu.vector_load %arg19[%swap3A, %swap3A_254] {strides = array<i32>} : memref<64x128xf32, #tpu.memory_space<vmem>>, vector<16xf32>,
      tpu.vector_store %arg19[%swap3A, %swap3A_254], %select_n3A_253 {strides = array<i32>} : memref<64x128xf32, #tpu.memory_space<vmem>>, vector<16xf32>,
      %scan3A_256 = arith.constant 0 : i32
      scf.yield %scan3A_256 : i32
    }
    %scan3A_198 = arith.constant 512 : i32
    "tpu.region"() ({
      %run_scoped3A = tpu.sem_alloc : memref<!tpu.dma_semaphore, #tpu.memory_space<semaphore_mem>>
      %dma_start3A = arith.constant 0 : i32
      %dma_start3A_199 = tpu.memref_slice %arg9[%mul3A_2, %dma_start3A] : memref<2048x128xf32, #tpu.memory_space<hbm>> -> memref<64x128xf32, #tpu.memory_space<hbm>>
      %dma_start3A_200 = arith.constant 0 : i32
      %dma_start3A_201 = tpu.memref_slice %arg9[%mul3A_2, %dma_start3A_200] : memref<2048x128xf32, #tpu.memory_space<hbm>> -> memref<64x128xf32, #tpu.memory_space<hbm>>
      tpu.enqueue_dma source(%arg19 : memref<64x128xf32, #tpu.memory_space<vmem>>) target(%dma_start3A_201 : memref<64x128xf32, #tpu.memory_space<hbm>>) target_semaphore(%run_scoped3A : memref<!tpu.dma_semaphore, #tpu.memory_space<semaphore_mem>>)
      %dma_wait3A = arith.constant 0 : i32
      %dma_wait3A_202 = tpu.memref_slice %arg9[%mul3A_2, %dma_wait3A] : memref<2048x128xf32, #tpu.memory_space<hbm>> -> memref<64x128xf32, #tpu.memory_space<hbm>>
      %dma_wait3A_203 = arith.constant 0 : i32
      %dma_wait3A_204 = tpu.memref_slice %arg9[%mul3A_2, %dma_wait3A_203] : memref<2048x128xf32, #tpu.memory_space<hbm>> -> memref<64x128xf32, #tpu.memory_space<hbm>>
      tpu.wait_dma2 semaphore(%run_scoped3A : memref<!tpu.dma_semaphore, #tpu.memory_space<semaphore_mem>>) src(%arg19 : memref<64x128xf32, #tpu.memory_space<vmem>>) dst(%dma_wait3A_204 : memref<64x128xf32, #tpu.memory_space<hbm>>)
      tpu.yield
    }) : () -> ()
    return
  }
}

module attributes {stable_mosaic.version = 14 : i64} {
  func.func @_proj_body(%arg0: memref<2048x128xf32, #tpu.memory_space<vmem>>, %arg1: memref<260x128xf32, #tpu.memory_space<vmem>>, %arg2: memref<1x128xf32, #tpu.memory_space<vmem>>, %arg3: memref<2048x128xf32, #tpu.memory_space<vmem>>, %arg4: memref<2048x128xf32, #tpu.memory_space<vmem>>) attributes {dimension_semantics = [], scalar_prefetch = 0 : i64, scratch_operands = 0 : i64, tpu.core_type = #tpu.core_type<tc>} {
    %get3A = arith.constant 0 : index
    %get3A_0 = arith.constant 0 : index
    %get3A_1 = vector.load %arg0[%get3A, %get3A_0] : memref<2048x128xf32, #tpu.memory_space<vmem>>, vector<2048x128xf32>
    %get3A_2 = arith.constant 0 : index
    %get3A_3 = arith.constant 0 : index
    %get3A_4 = vector.load %arg1[%get3A_2, %get3A_3] : memref<260x128xf32, #tpu.memory_space<vmem>>, vector<128x128xf32>
    %get3A_5 = arith.constant 128 : index
    %get3A_6 = arith.constant 0 : index
    %get3A_7 = vector.load %arg1[%get3A_5, %get3A_6] : memref<260x128xf32, #tpu.memory_space<vmem>>, vector<128x128xf32>
    %sub3A = arith.subf %get3A_4, %get3A_7 : vector<128x128xf32>
    %dot_general3A = arith.constant dense<0.000000e+00> : vector<2048x128xf32>
    %dot_general3A_8 = tpu.matmul %get3A_1, %sub3A, %dot_general3A {dimension_numbers = #tpu.dot_dimension_numbers<[1], [0], [0], [1], [0, 0, 1, 1], [], []>, transpose_lhs_hint = false} : vector<2048x128xf32>, vector<128x128xf32>, vector<2048x128xf32> -> vector<2048x128xf32>
    %get3A_9 = arith.constant 0 : index
    %get3A_10 = arith.constant 0 : index
    %get3A_11 = vector.load %arg2[%get3A_9, %get3A_10] : memref<1x128xf32, #tpu.memory_space<vmem>>, vector<1x128xf32>
    %add3A = vector.broadcast %get3A_11 : vector<1x128xf32> to vector<2048x128xf32>
    %add3A_12 = arith.addf %dot_general3A_8, %add3A : vector<2048x128xf32>
    %swap3A = arith.constant 0 : index
    %swap3A_13 = arith.constant 0 : index
    %swap3A_14 = vector.load %arg3[%swap3A, %swap3A_13] : memref<2048x128xf32, #tpu.memory_space<vmem>>, vector<2048x128xf32>
    tpu.vector_store %arg3[%swap3A, %swap3A_13], %add3A_12 {strides = array<i32>} : memref<2048x128xf32, #tpu.memory_space<vmem>>, vector<2048x128xf32>,
    %dot_general3A_15 = arith.constant dense<0.000000e+00> : vector<2048x128xf32>
    %dot_general3A_16 = tpu.matmul %get3A_1, %get3A_7, %dot_general3A_15 {dimension_numbers = #tpu.dot_dimension_numbers<[1], [0], [0], [1], [0, 0, 1, 1], [], []>, transpose_lhs_hint = false} : vector<2048x128xf32>, vector<128x128xf32>, vector<2048x128xf32> -> vector<2048x128xf32>
    %swap3A_17 = arith.constant 0 : index
    %swap3A_18 = arith.constant 0 : index
    %swap3A_19 = vector.load %arg4[%swap3A_17, %swap3A_18] : memref<2048x128xf32, #tpu.memory_space<vmem>>, vector<2048x128xf32>
    tpu.vector_store %arg4[%swap3A_17, %swap3A_18], %dot_general3A_16 {strides = array<i32>} : memref<2048x128xf32, #tpu.memory_space<vmem>>, vector<2048x128xf32>,
    return
  }
}

</mosaic_0001>

<sc_bundles>
// kernel: kernel.4.cloned.1.call-start
scs
__scs_entry_jumppad:
0x0: {  	(pc) =	sbr.rel $0x88, $3  }
0x1: {  	(tag) =	ssettag $0x0;
	lr =	simm.s32 $0x1  }
0x2: {  	[smem:$0x3F9B] =	sst lr;
	_ =	strace $0xD0000000  }
0x3: {  	_ = 	snop  }
0x4: {  	_ = 	snop  }
0x5: {  	_ = 	snop  }
0x6: {  	_ = 	snop  }
0x7: {  	_ = 	snop  }
__scs_overlays_trampoline_lowered:
0x8: {  	[smem:$0x3FAA] =	sst s0  }
0x9: {  	[smem:$0x3FAB] =	sst s1  }
0xa: {  	[smem:$0x3FAC] =	sst s2  }
0xb: {  	[smem:$0x3FAD] =	sst s3  }
0xc: {  	[smem:$0x3FAE] =	sst s4  }
0xd: {  	[smem:$0x3FAF] =	sst s5  }
0xe: {  	[smem:$0x3FB0] =	sst s6  }
0xf: {  	[smem:$0x3FB1] =	sst s7  }
0x10: {  	[smem:$0x3FB2] =	sst s8  }
0x11: {  	[smem:$0x3FB3] =	sst s9;
	s0 =	simm.s32 @!p0 $0x0  }
0x12: {  	s1 =	sld [smem:$0x3F99];
	s0 =	simm.s32 @p0 $0x1  }
0x13: {  	[smem:$0x3FB4] =	sst s0;
	s0 =	simm.s32 @!p1 $0x0  }
0x14: {  	s2 =	sld [smem:$0x3F98];
	s0 =	simm.s32 @p1 $0x1  }
0x15: {  	[smem:$0x3FB5] =	sst s0;
	s0 =	simm.s32 @!p2 $0x0  }
0x16: {  	s3 =	sld [smem:$0x3FDB];
	s0 =	simm.s32 @p2 $0x1  }
0x17: {  	s4 =	simm.s32 $0x1BF5;
	[smem:$0x3FB7] =	sst s0  }
0x18: {  	s0 =	sld [smem:$0x3F9A];
	_ =	swait.ge [sflag:s4], $0x0  }
0x19: {  	s7 =	sld [smem:$0x3F9B]  }
0x1a: {  	s8 =	sadd.s32 $0xFFFFE003, lr  }
0x1b: {  	s9 =	sadd.s32 $0xFFFFFEF7, lr;
	s5 =	simm.s32 $0xFFFFFFFF;
	p2 =	slt.u32 s8, $0xFFFFF086  }
0x1c: {  	p1 =	slt.u32 s9, $0xF7A;
	s5 =	simm.s32 @!p2 $0x0  }
0x1d: {  	s5 =	simm.s32 @p1 $0x1;
	p0 =	seq.s32 s7, s2  }
0x1e: {  	s7 =	smul.u32 @!p0 $0xF7A, s2;
	p2 =	seq.s32 @!p0 s5, $0x0  }
0x1f: {  	s9 =	smul.u32 $0xF7A, s1;
	s8 =	simm.s32 @!p0 $0x1BF5;
	p2 =	por !p2, p0  }
0x20: {  	[sflag:s8] =	ssyncset.s32 @!p0 $0xFFFFF086;
	s6 =	sadd.s32 @!p0 s3, s7;
	s7 =	simm.s32 @!p0 $0x108  }
0x21: {  	s3 =	sadd.s32 s3, s9;
	s6 =	sadd.s32 @!p0 $0x88, s6;
	s7 =	simm.s32 @p2 $0x1082  }
0x22: {  	[simem:s7], [sflag:s8] =	dma.local @!p0 [hbm:s6], $0xF7A  }
0x23: {  	s9 =	sor.u32 $0xD0000000, s2;
	s6 =	simm.s32 $0x108;
	_ =	swait.ge @!p0 [sflag:s8], $0x0  }
0x24: {  	s3 =	sadd.s32 $0x88, s3;
	s6 =	simm.s32 @!p1 $0x1082;
	[sflag:s4] =	ssyncset.s32 $0xFFFFF086  }
0x25: {  	[simem:s6], [sflag:s4] =	dma.local [hbm:s3], $0xF7A  }
0x26: {  	[smem:$0x3F9B] =	sst s1;
	(tag) =	ssettag s2;
	_ =	strace s9  }
0x27: {  	s1 =	sld [smem:$0x3FAB]  }
0x28: {  	s2 =	sld [smem:$0x3FAC]  }
0x29: {  	s4 =	sld [smem:$0x3FAE]  }
0x2a: {  	p0 =	seq.s32 s5, $0x0;
	s5 =	sld [smem:$0x3FAF]  }
0x2b: {  	s6 =	sld [smem:$0x3FB0]  }
0x2c: {  	s7 =	sld [smem:$0x3FB1]  }
0x2d: {  	s3 =	simm.s32 $0x108;
	s8 =	sld [smem:$0x3FB2]  }
0x2e: {  	s3 =	simm.s32 @!p0 $0x1082;
	s9 =	sld [smem:$0x3FB3]  }
0x2f: {  	lr =	sadd.s32 s0, s3;
	s0 =	sld [smem:$0x3FAA]  }
0x30: {  	s3 =	sld [smem:$0x3FAD]  }
0x31: {  	[smem:$0x3FB6] =	sst s10  }
0x32: {  	s10 =	sld [smem:$0x3FB4];
	_ =	sdelay $0x3  }
0x33: {  	p0 =	seq.s32 s10, $0x1;
	s10 =	sld [smem:$0x3FB6];
	_ =	sdelay $0x3  }
0x34: {  	[smem:$0x3FB6] =	sst s10  }
0x35: {  	s10 =	sld [smem:$0x3FB5];
	_ =	sdelay $0x3  }
0x36: {  	p1 =	seq.s32 s10, $0x1;
	s10 =	sld [smem:$0x3FB6];
	_ =	sdelay $0x3  }
0x37: {  	[smem:$0x3FB6] =	sst s10  }
0x38: {  	s10 =	sld [smem:$0x3FB7]  }
0x39: {  	_ = 	snop;
	(pc) =	sbr.ind lr, $3  }
0x3a: {  	_ = 	snop  }
0x3b: {  	_ = 	snop  }
0x3c: {  	p2 =	seq.s32 s10, $0x1;
	s10 =	sld [smem:$0x3FB6]  }
0x3d: {  	_ =	shalt  }
0x3e: {  	_ =	shalt  }
0x3f: {  	_ =	shalt  }
0x40: {  	_ =	shalt  }
0x41: {  	_ =	shalt  }
0x42: {  	_ =	shalt  }
0x43: {  	_ =	shalt  }
0x44: {  	_ =	shalt  }
0x45: {  	_ =	shalt  }
0x46: {  	_ =	shalt  }
0x47: {  	_ =	shalt  }
0x48: {  	_ =	shalt  }
0x49: {  	_ =	shalt  }
0x4a: {  	_ =	shalt  }
0x4b: {  	_ =	shalt  }
0x4c: {  	_ =	shalt  }
0x4d: {  	_ =	shalt  }
0x4e: {  	_ =	shalt  }
0x4f: {  	_ =	shalt  }
0x50: {  	_ =	shalt  }
0x51: {  	_ =	shalt  }
0x52: {  	_ =	shalt  }
0x53: {  	_ =	shalt  }
0x54: {  	_ =	shalt  }
0x55: {  	_ =	shalt  }
0x56: {  	_ =	shalt  }
0x57: {  	_ =	shalt  }
0x58: {  	_ =	shalt  }
0x59: {  	_ =	shalt  }
0x5a: {  	_ =	shalt  }
0x5b: {  	_ =	shalt  }
0x5c: {  	_ =	shalt  }
0x5d: {  	_ =	shalt  }
0x5e: {  	_ =	shalt  }
0x5f: {  	_ =	shalt  }
0x60: {  	_ =	shalt  }
0x61: {  	_ =	shalt  }
0x62: {  	_ =	shalt  }
0x63: {  	_ =	shalt  }
0x64: {  	_ =	shalt  }
0x65: {  	_ =	shalt  }
0x66: {  	_ =	shalt  }
0x67: {  	_ =	shalt  }
0x68: {  	_ =	shalt  }
0x69: {  	_ =	shalt  }
0x6a: {  	_ =	shalt  }
0x6b: {  	_ =	shalt  }
0x6c: {  	_ =	shalt  }
0x6d: {  	_ =	shalt  }
0x6e: {  	_ =	shalt  }
0x6f: {  	_ =	shalt  }
0x70: {  	_ =	shalt  }
0x71: {  	_ =	shalt  }
0x72: {  	_ =	shalt  }
0x73: {  	_ =	shalt  }
0x74: {  	_ =	shalt  }
0x75: {  	_ =	shalt  }
0x76: {  	_ =	shalt  }
0x77: {  	_ =	shalt  }
0x78: {  	_ =	shalt  }
0x79: {  	_ =	shalt  }
0x7a: {  	_ =	shalt  }
0x7b: {  	_ =	shalt  }
0x7c: {  	_ =	shalt  }
0x7d: {  	_ =	shalt  }
0x7e: {  	_ =	shalt  }
0x7f: {  	_ =	shalt  }
0x80: {  	_ =	shalt  }
0x81: {  	_ =	shalt  }
0x82: {  	_ =	shalt  }
0x83: {  	_ =	shalt  }
0x84: {  	_ =	shalt  }
0x85: {  	_ =	shalt  }
0x86: {  	_ =	shalt  }
0x87: {  	_ =	shalt  }
.Lfunc_end0:
.L_simem_size_0:
called_computation_lowered:
.L_overlay_start_0:
0x88: {  	s2 =	sld [smem:$0x3FD9]  }
0x89: {  	s3 =	sld [smem:$0x3FFE];
	_ =	sdelay $0x1  }
0x8a: {  	s1 =	srdreg.scid  }
0x8b: {  	s0 =	sand.u32 $0x1, s1  }
0x8c: {  	s17 =	sshll.u32 s0, $0xA;
	s2 =	sadd.s32 s3, s2  }
0x8d: {  	s2 =	sadd.s32 s2, s17  }
0x8e: {  	[smem:$0x3FC2] =	sst s2  }
0x8f: {  	_ = 	snop  }
0x90: {  	s2 =	sld [smem:$0x3FC6]  }
0x91: {  	s18 =	sld [smem:$0x3FD0];
	(tm) =	ssettm $0x1  }
0x92: {  	s4 =	sld [smem:$0x3FFB];
	_ =	sdelay $0x3  }
0x93: {  	_ =	strace s4  }
0x94: {  	s4 =	sld [smem:$0x3FFC];
	_ =	sdelay $0x3  }
0x95: {  	_ =	strace s4  }
0x96: {  	s4 =	sld [smem:$0x3FFD];
	_ =	sdelay $0x3  }
0x97: {  	_ =	strace s4  }
0x98: {  	_ =	strace $0x8FFFFFFF  }
0x99: {  	s19 =	sld [smem:$0x3FDB];
	_ =	sdelay $0x1  }
0x9a: {  	s5 =	simm.s32 $_scs_section_size  }
0x9b: {  	s6 =	simm.s32 $_size__tile_overlayer_lowered;
	s7 =	simm.s32 $_tile_overlayer_lowered  }
0x9c: {  	s22 =	simm.s32 $0x1BFF;
	s21 =	sshll.u32 s7, $0x1;
	s4 =	sadd.s32 s5, s19  }
0x9d: {  	s8 =	simm.s32 $0x0;
	s20 =	sshll.u32 s6, $0x1;
	s6 =	sadd.s32 s21, s4  }
0x9e: {  	[timem:s8], [sflag:s22] =	dma.local [hbm:s6], s20  }
0x9f: {  	_ =	swait.ge [sflag:s22], s20  }
0xa0: {  	s5 =	ssub.s32 $0x0, s20;
	[sflag:s22] =	ssyncset.done $0x0  }
0xa1: {  	[sflag:s22] =	ssyncadd.s32 s5;
	_ =	sdelay $0x1  }
0xa2: {  	s23 =	simm.s32 $0x1B8B  }
0xa3: {  	_ =	swait.ge [sflag:s23], $0x1  }
0xa4: {  	[sflag:s23] =	ssyncset.done $0x0  }
0xa5: {  	s25 =	simm.s32 $0x1B8E;
	s24 =	sld [smem:$0x3FFE];
	[sflag:s23] =	ssyncadd.s32 $0xFFFFFFFF  }
0xa6: {  	s26 =	simm.s32 $execute0_lowered;
	[smem:$0x3FD2] =	sst s25  }
0xa7: {  	s6 =	sshll.u32 s26, $0x1;
	_ =	strace $0x80000046;
	[dreg:$0x1] =	wrdreg $0xFFFFFFFF  }
0xa8: {  	s28 =	simm.s32 $_size_execute0_lowered;
	s4 =	sadd.s32 s4, s6;
	[dreg:$0x0] =	wrdreg $0x0  }
0xa9: {  	s6 =	sshll.u32 s28, $0x1;
	[dreg:$0x2] =	wrdreg s4  }
0xaa: {  	[dreg:$0x3] =	wrdreg s6  }
0xab: {  	[dreg:$0x4] =	wrdreg $0xC0  }
0xac: {  	_ =	task [dreg:s8], $0x5FFFF  }
0xad: {  	[dreg:$0x1] =	wrdreg $0xFFFFFFFF  }
0xae: {  	[dreg:$0x0] =	wrdreg $0x60  }
0xaf: {  	[dreg:$0x2] =	wrdreg s24  }
0xb0: {  	[dreg:$0x3] =	wrdreg s2  }
0xb1: {  	[dreg:$0x4] =	wrdreg s18  }
0xb2: {  	[dreg:$0x5] =	wrdreg $0x9  }
0xb3: {  	_ =	task.clear_ibuf [dreg:s8], $0x6FFFF;
	_ =	strace $0x90000046  }
0xb4: {  	s29 =	simm.s32 $0x9;
	_ =	strace $0x80000048  }
0xb5: {  	_ =	swait.ge [sflag:s29], $0x1  }
0xb6: {  	[sflag:s29] =	ssyncadd.s32 $0xFFFFFFFF  }
0xb7: {  	_ =	strace $0x90000048  }
0xb8: {  	_ =	sfence  }
0xb9: {  	s30 =	sld [smem:$0x0];
	_ =	sdelay $0x2  }
0xba: {  	s31 =	sshll.u32 s1, $0xD;
	s1 =	sshrl.u32 s1, $0x2  }
0xbb: {  	s3 =	sand.u32 $0x4000, s31;
	s1 =	sadd.s32 s1, s30  }
0xbc: {  	s0 =	sor.u32 s3, s0;
	s1 =	sshll.u32 s1, $0x11  }
0xbd: {  	s0 =	sor.u32 s1, s0  }
0xbe: {  	s0 =	sadd.s32 $0x8F2B, s0  }
0xbf: {  	[sflag:s0] =	ssyncadd.remote.s32 $0x1  }
0xc0: {  	_ =	sfence.sel $0xFFFF  }
0xc1: {  	[dreg:$0x0] =	wrdreg $0xFFFFFFFF;
	(pc) =	sbr.abs _section_cstart, $3  }
0xc2: {  	[dreg:$0x1] =	wrdreg $0xFFFFFFFF  }
0xc3: {  	_ =	task.clear_ibuf [dreg:s8], $0x2FFFF;
	_ =	strace $0x9FFFFFFF  }
0xc4: {  	(tm) =	ssettm $0x7FFFFFFF  }
0xc5: {  	_ =	shalt  }
tec
execute0_lowered:
.L_overlay_start_1:
0x0: {  	(tag) =	ssettag $0x1  }
0x1: {  	s0 =	rddreg [dreg:$0x0]  }
0x2: {  	s1 =	rddreg [dreg:$0x1]  }
0x3: {  	s2 =	rddreg [dreg:$0x2]  }
0x4: {  	s12 =	simm.s32 $0x0;
	s4 =	srdreg.scid;
	s3 =	stileid.u32  }
0x5: {  	s14 =	simm.s32 $0x3;
	s17 =	simm.s32 $0x1;
	s18 =	simm.s32 $0x30  }
0x6: {  	s19 =	simm.s32 $0xC8;
	s20 =	simm.s32 $0x2;
	s21 =	simm.s32 $0x80  }
0x7: {  	s22 =	simm.s32 $0x160;
	s23 =	simm.s32 $0x260;
	s24 =	simm.s32 $0x1E0  }
0x8: {  	[smem:$0x7FF] =	sst s12;
	s4 =	sand.u32 $0x1, s4;
	s5 =	sshll.u32 s3, $0x1  }
0x9: {  	s26 =	sadd.s32 $0x5A00, s0;
	s6 =	sadd.s32 $0x3800, s0;
	s7 =	sadd.s32 $0x1600, s0  }
0xa: {  	s8 =	sadd.s32 $0xDC00, s0;
	_ =	strace $0x80000047;
	s29 =	sor.u32 s4, s5  }
0xb: {  	[dreg:$0x4] =	wrdreg s26;
	s4 =	ssub.s32 $0x2, s4;
	s9 =	sshll.u32 s29, $0xA  }
0xc: {  	[dreg:$0x5] =	wrdreg s29;
	s10 =	sadd.s32 s9, s0;
	s0 =	sadd.s32 $0x1400, s0  }
0xd: {  	s11 =	sshrl.u32 s4, $0x1;
	s2 =	sadd.s32 s2, s9;
	[dreg:$0x6] =	wrdreg s0  }
0xe: {  	s30 =	ssub.s32 s4, s11;
	s31 =	sadd.s32 $0x5C00, s10;
	[dreg:$0x8] =	wrdreg s2  }
0xf: {  	s25 =	simm.s32 $0x4260;
	s0 =	smax.u32 s30, $0x1;
	[dreg:$0x7] =	wrdreg s31  }
0x10: {  	v0 =	vimm.f32 $-Inf;
	s28 =	simm.s32 $0x0;
	s11 =	sshll.u32 s29, $0xD;
	[dreg:$0x9] =	wrdreg s0  }
.LBB2_1:
0x11: {  	s0 =	rddreg [dreg:$0x4]  }
0x12: {  	[tilespmem:s12], [sflag:$0x3] =	stream.linear.gather [hbm4b:s0+s12], $0x30, $0x38;
	[tilespmem:$0x18460] =	vst v63  }
0x13: {  	_ =	swait.ge [sflag:s14], $0x30  }
0x14: {  	[sflag:s14] =	ssyncset.done $0x0  }
0x15: {  	s2 =	simm.s32 $0x14260;
	s16 =	rddreg [dreg:$0x7];
	[sflag:s14] =	ssyncadd.s32 $0xFFFFFFD0  }
0x16: {  	[tilespmem:s2], [sflag:$0x3] =	stream.linear.gather [hbm4b:s16+s12], $0x2000, $0x38;
	[tilespmem:$0x18460] =	vst v63  }
0x17: {  	_ =	swait.ge [sflag:s14], $0x2000  }
0x18: {  	[sflag:s14] =	ssyncset.done $0x0  }
0x19: {  	s29 =	simm.s32 $0x16260;
	s26 =	rddreg [dreg:$0x6];
	[sflag:s14] =	ssyncadd.s32 $0xFFFFE000  }
0x1a: {  	[tilespmem:s29], [sflag:$0x3] =	stream.linear.gather [hbm4b:s26+s12], $0x200, $0x38;
	[tilespmem:$0x18460] =	vst v63  }
0x1b: {  	_ =	swait.ge [sflag:s14], $0x200  }
0x1c: {  	[sflag:s14] =	ssyncset.done $0x0  }
0x1d: {  	[sflag:s14] =	ssyncadd.s32 $0xFFFFFE00  }
0x1e: {  	v2 =	vld [tilespmem:$0x16260]  }
0x1f: {  	v3 =	vld [tilespmem:$0x16270]  }
0x20: {  	v4 =	vld [tilespmem:$0x16280]  }
0x21: {  	v5 =	vld [tilespmem:$0x16290]  }
0x22: {  	v6 =	vld [tilespmem:$0x162A0]  }
0x23: {  	v7 =	vld [tilespmem:$0x162B0]  }
0x24: {  	v8 =	vld [tilespmem:$0x162C0]  }
0x25: {  	v9 =	vld [tilespmem:$0x162D0]  }
0x26: {  	v10 =	vld [tilespmem:$0x162E0]  }
0x27: {  	v11 =	vld [tilespmem:$0x162F0]  }
0x28: {  	v12 =	vld [tilespmem:$0x16300]  }
0x29: {  	v13 =	vld [tilespmem:$0x16310]  }
0x2a: {  	v14 =	vld [tilespmem:$0x16320]  }
0x2b: {  	v15 =	vld [tilespmem:$0x16330]  }
0x2c: {  	v16 =	vld [tilespmem:$0x16340]  }
0x2d: {  	v17 =	vld [tilespmem:$0x16350]  }
0x2e: {  	v18 =	vld [tilespmem:$0x16360]  }
0x2f: {  	v19 =	vld [tilespmem:$0x16370]  }
0x30: {  	v20 =	vld [tilespmem:$0x16380]  }
0x31: {  	v21 =	vld [tilespmem:$0x16390]  }
0x32: {  	v22 =	vld [tilespmem:$0x163A0]  }
0x33: {  	v23 =	vld [tilespmem:$0x163B0]  }
0x34: {  	v24 =	vld [tilespmem:$0x163C0]  }
0x35: {  	v25 =	vld [tilespmem:$0x163D0]  }
0x36: {  	v26 =	vld [tilespmem:$0x163E0]  }
0x37: {  	v27 =	vld [tilespmem:$0x163F0]  }
0x38: {  	v28 =	vld [tilespmem:$0x16400]  }
0x39: {  	v29 =	vld [tilespmem:$0x16410]  }
0x3a: {  	v30 =	vld [tilespmem:$0x16420]  }
0x3b: {  	s30 =	sand.u32 $0x7E00, s12;
	v31 =	vld [tilespmem:$0x16430]  }
0x3c: {  	s31 =	sand.u32 $0x70, s12;
	s4 =	sshrl.u32 s30, $0x2;
	v32 =	vld [tilespmem:$0x16440]  }
0x3d: {  	s0 =	simm.s32 $0x40;
	s4 =	sor.u32 s31, s4;
	s2 =	simm.s32 $0x0;
	v33 =	vld [tilespmem:$0x16450]  }
.LBB2_2:
0x3e: {  	p0 =	sne.s32 s0, $0x7FC0  }
0x3f: {  	[tilespmem:s4+$0x16460] =	vst v0;
	s2 =	sadd.s32 $0x10, s2;
	s4 =	smov.u32 s0;
	s0 =	sadd.s32 $0x40, s0  }
.Ltmp0:
0x40: {  	(pc) =	sbr.rel @p0 .LBB2_2-.Ltmp0, $4  }
0x41: {  	_ = 	snop  }
0x42: {  	s4 =	sand.u32 $0x7E00, s4  }
0x43: {  	s9 =	sand.u32 $0x70, s2;
	s4 =	sshrl.u32 s4, $0x2  }
0x44: {  	s4 =	sor.u32 s9, s4  }
0x45: {  	[tilespmem:s4+$0x16460] =	vst v0;
	s0 =	rddreg [dreg:$0x5]  }
0x46: {  	v34 =	vld [tilespmem:s0+$0x0]  }
0x47: {  	v35 =	vld [tilespmem:s0+$0x1];
	_ =	sdelay $0x3  }
0x48: {  	(v2sf) =	vpush v34, $0x0  }
0x49: {  	(v2sf) =	vpush v35, $0x0;
	_ =	sdelay $0xd  }
0x4a: {  	s29 =	spop (v2sf)  }
0x4b: {  	s16 =	spop (v2sf)  }
0x4c: {  	s30 =	ssub.s32 s16, s29  }
0x4d: {  	s0 =	sadd.s32 $0x7F, s30  }
0x4e: {  	s2 =	sand.u32 $0x7F, s0  }
0x4f: {  	s26 =	sshra.s32 s0, $0x1F;
	p1 =	slt.s32 s0, $0x1;
	p0 =	sne.s32 s2, $0x0  }
0x50: {  	s2 =	sshrl.u32 s26, $0x19;
	p0 =	por !p1, !p0  }
0x51: {  	s0 =	sadd.s32 s2, s0;
	s2 =	simm.s32 $0x1;
	p0 =	por !p0, !p0  }
0x52: {  	s0 =	sshra.s32 s0, $0x7;
	s2 =	simm.s32 @!p0 $0x0  }
0x53: {  	s31 =	ssub.s32 s0, s2  }
0x54: {  	p0 =	slt.s32 s31, $0x1  }
.Ltmp1:
0x55: {  	_ = 	snop;
	(pc) =	sbr.rel @p0 .LBB2_13-.Ltmp1, $1  }
0x56: {  	_ =	sdelay $0x3  }
0x57: {  	s0 =	sand.u32 $0x7, s29  }
.Ltmp2:
0x58: {  	v1 =	vlaneseq.u32;
	s2 =	sor.u32 $0x10, s0;
	(pc) =	sbr.rel .LBB2_5-.Ltmp2, $4  }
0x59: {  	s13 =	sor.u32 $0x20, s0;
	v34 =	vadd.s32 s2, v1  }
0x5a: {  	s4 =	sor.u32 $0x40, s0;
	s9 =	sor.u32 $0x50, s0;
	s15 =	sor.u32 $0x30, s0;
	v38 =	vadd.s32 s0, v1;
	v43 =	vmov s0;
	v62 =	vadd.s32 s13, v1;
	[tilespmem:$0x1FFD0] =	vst v34  }
0x5b: {  	s16 =	sor.u32 $0x60, s0;
	s26 =	sor.u32 $0x70, s0;
	v63 =	vadd.s32 s4, v1;
	v37 =	vadd.s32 s9, v1;
	v39 =	vadd.s32 s15, v1;
	[tilespmem:$0x1FFE0] =	vst v62  }
0x5c: {  	v40 =	vadd.s32 s16, v1;
	v41 =	vadd.s32 s26, v1;
	s2 =	simm.s32 $0x0;
	v42 =	vmov s15;
	s15 =	simm.s32 $0x0;
	[tilespmem:$0x1FFF0] =	vst v63  }
.LBB2_12:
0x5d: {  	s15 =	sadd.s32 $0x1, s15  }
0x5e: {  	p0 =	sne.s32 s15, s31  }
.Ltmp3:
0x5f: {  	_ = 	snop;
	(pc) =	sbr.rel @!p0 .LBB2_13-.Ltmp3, $1  }
0x60: {  	_ =	sdelay $0x3  }
.LBB2_5:
0x61: {  	s4 =	sshll.u32 s15, $0x7  }
0x62: {  	s9 =	sadd.s32 s29, s4  }
0x63: {  	s9 =	sshrl.u32 s9, $0x3  }
0x64: {  	s10 =	sadd.s32 s6, s9  }
0x65: {  	[tilespmem:s18], [sflag:$0x1] =	stream.linear.gather [hbm4b:s10+s2], $0x88, $0x38;
	[tilespmem:$0x18460] =	vst v63  }
0x66: {  	s9 =	sadd.s32 s7, s9  }
0x67: {  	[tilespmem:s19], [sflag:$0x2] =	stream.linear.gather [hbm4b:s9+s2], $0x88, $0x38;
	[tilespmem:$0x18460] =	vst v63  }
0x68: {  	_ =	swait.ge [sflag:s17], $0x88  }
0x69: {  	[sflag:s17] =	ssyncset.done $0x0  }
0x6a: {  	[sflag:s17] =	ssyncadd.s32 $0xFFFFFF78  }
0x6b: {  	_ =	swait.ge [sflag:s20], $0x88  }
0x6c: {  	[sflag:s20] =	ssyncset.done $0x0  }
0x6d: {  	v1 =	vld [tilespmem:$0x1FFD0];
	[sflag:s20] =	ssyncadd.s32 $0xFFFFFF78  }
0x6e: {  	v44 =	vld.idx.msk [tilespmem:v38+s18+$0x0], $0xffff  }
0x6f: {  	v45 =	vld.idx.msk [tilespmem:v38+s19+$0x0], $0xffff;
	_ =	sdelay $0x4  }
0x70: {  	v44 =	vshll.u32 v44, $0x4;
	v46 =	vshra.s32 v45, $0x7  }
0x71: {  	[tilespmem:$0x160] =	vst v45;
	v44 =	vadd.s32 v44, v46  }
0x72: {  	[tilespmem:$0x1E0] =	vst v44  }
0x73: {  	v44 =	vld.idx.msk [tilespmem:v1+s18+$0x0], $0xffff  }
0x74: {  	v45 =	vld.idx.msk [tilespmem:v1+s19+$0x0], $0xffff  }
0x75: {  	v1 =	vld [tilespmem:$0x1FFE0];
	_ =	sdelay $0x4  }
0x76: {  	v44 =	vshll.u32 v44, $0x4;
	v57 =	vshra.s32 v45, $0x7  }
0x77: {  	[tilespmem:$0x170] =	vst v45;
	v44 =	vadd.s32 v44, v57  }
0x78: {  	[tilespmem:$0x1F0] =	vst v44  }
0x79: {  	v44 =	vld.idx.msk [tilespmem:v1+s18+$0x0], $0xffff  }
0x7a: {  	v45 =	vld.idx.msk [tilespmem:v1+s19+$0x0], $0xffff;
	_ =	sdelay $0x4  }
0x7b: {  	v44 =	vshll.u32 v44, $0x4;
	v58 =	vshra.s32 v45, $0x7  }
0x7c: {  	[tilespmem:$0x180] =	vst v45;
	v44 =	vadd.s32 v44, v58  }
0x7d: {  	v1 =	vld [tilespmem:$0x1FFF0];
	[tilespmem:$0x200] =	vst v44  }
0x7e: {  	v44 =	vld.idx.msk [tilespmem:v39+s18+$0x0], $0xffff  }
0x7f: {  	v45 =	vld.idx.msk [tilespmem:v39+s19+$0x0], $0xffff;
	_ =	sdelay $0x4  }
0x80: {  	v44 =	vshll.u32 v44, $0x4;
	v59 =	vshra.s32 v45, $0x7  }
0x81: {  	[tilespmem:$0x190] =	vst v45;
	v44 =	vadd.s32 v44, v59  }
0x82: {  	[tilespmem:$0x210] =	vst v44  }
0x83: {  	v44 =	vld.idx.msk [tilespmem:v1+s18+$0x0], $0xffff  }
0x84: {  	v45 =	vld.idx.msk [tilespmem:v1+s19+$0x0], $0xffff;
	_ =	sdelay $0x4  }
0x85: {  	v44 =	vshll.u32 v44, $0x4;
	v60 =	vshra.s32 v45, $0x7  }
0x86: {  	[tilespmem:$0x1A0] =	vst v45;
	v44 =	vadd.s32 v44, v60  }
0x87: {  	[tilespmem:$0x220] =	vst v44  }
0x88: {  	v44 =	vld.idx.msk [tilespmem:v37+s18+$0x0], $0xffff  }
0x89: {  	v45 =	vld.idx.msk [tilespmem:v37+s19+$0x0], $0xffff;
	_ =	sdelay $0x4  }
0x8a: {  	v44 =	vshll.u32 v44, $0x4;
	v61 =	vshra.s32 v45, $0x7  }
0x8b: {  	[tilespmem:$0x1B0] =	vst v45;
	v44 =	vadd.s32 v44, v61  }
0x8c: {  	[tilespmem:$0x230] =	vst v44  }
0x8d: {  	v44 =	vld.idx.msk [tilespmem:v40+s18+$0x0], $0xffff  }
0x8e: {  	v45 =	vld.idx.msk [tilespmem:v40+s19+$0x0], $0xffff;
	_ =	sdelay $0x4  }
0x8f: {  	v44 =	vshll.u32 v44, $0x4;
	v62 =	vshra.s32 v45, $0x7  }
0x90: {  	[tilespmem:$0x1C0] =	vst v45;
	v44 =	vadd.s32 v44, v62  }
0x91: {  	[tilespmem:$0x240] =	vst v44  }
0x92: {  	v44 =	vld.idx.msk [tilespmem:v41+s18+$0x0], $0xffff  }
0x93: {  	v45 =	vld.idx.msk [tilespmem:v41+s19+$0x0], $0xffff;
	_ =	sdelay $0x4  }
0x94: {  	v44 =	vshll.u32 v44, $0x4;
	v63 =	vshra.s32 v45, $0x7  }
0x95: {  	[tilespmem:$0x1D0] =	vst v45;
	v44 =	vadd.s32 v44, v63  }
0x96: {  	[tilespmem:$0x250] =	vst v44  }
0x97: {  	[tilespmem:s23], [sflag:$0x1] =	stream.indirect.gather [hbm4b:s8+s21], $0x80, s22, s21, $0xb8;
	[tilespmem:$0x18460] =	vst v63  }
0x98: {  	s16 =	ssub.s32 s30, s4  }
0x99: {  	[tilespmem:s25], [sflag:$0x2] =	stream.indirect.gather [hbm4b:s1+s21], $0x200, s24, s21, $0xb8;
	[tilespmem:$0x18460] =	vst v63  }
0x9a: {  	p0 =	slt.s32 s16, $0x1;
	_ =	swait.ge [sflag:s17], $0x4000  }
.Ltmp4:
0x9b: {  	[sflag:s17] =	ssyncset.done $0x0;
	(pc) =	sbr.rel @p0 .LBB2_12-.Ltmp4, $4  }
0x9c: {  	[sflag:s17] =	ssyncadd.s32 $0xFFFFC000  }
0x9d: {  	_ =	swait.ge [sflag:s20], $0x10000  }
0x9e: {  	[sflag:s20] =	ssyncset.done $0x0  }
0x9f: {  	[sflag:s20] =	ssyncadd.s32 $0xFFFF0000  }
.Ltmp5:
0xa0: {  	(pc) =	sbr.rel .LBB2_7-.Ltmp5, $3  }
0xa1: {  	_ =	sdelay $0x1  }
0xa2: {  	p0 =	slt.s32 s16, $0x80  }
0xa3: {  	s26 =	simm.s32 $0x0;
	s16 =	simm.s32 @!p0 $0x80  }
.LBB2_11:
0xa4: {  	[tilespmem:s4+$0x16460] =	vst v49  }
0xa5: {  	[tilespmem:s4+$0x16470] =	vst v48  }
0xa6: {  	[tilespmem:s4+$0x16480] =	vst v47;
	p0 =	slt.s32 s26, s16  }
.Ltmp6:
0xa7: {  	[tilespmem:s4+$0x16490] =	vst v46;
	(pc) =	sbr.rel @!p0 .LBB2_12-.Ltmp6, $4  }
0xa8: {  	[tilespmem:s4+$0x164A0] =	vst v45  }
0xa9: {  	[tilespmem:s4+$0x164B0] =	vst v44  }
0xaa: {  	[tilespmem:s4+$0x164C0] =	vst v51  }
0xab: {  	[tilespmem:s4+$0x164D0] =	vst v50  }
.LBB2_7:
0xac: {  	_ =	sdelay $0x3  }
0xad: {  	v44 =	vld.idx.msk [tilespmem:v42+s26+$0x0 ss:$0x1], $0xffff;
	_ =	sdelay $0x3  }
0xae: {  	v63 =	vld.idx.msk [tilespmem:v43+s26+$0x30 ss:$0x1], $0xffff  }
0xaf: {  	(v2sf) =	vpush v44, $0x0;
	_ =	sdelay $0x3  }
0xb0: {  	(v2sf) =	vpush v63, $0x0;
	_ =	sdelay $0xa  }
0xb1: {  	s9 =	spop (v2sf)  }
0xb2: {  	s4 =	sshll.u32 s9, $0x7  }
0xb3: {  	s4 =	ssub.s32 s4, s11  }
0xb4: {  	v49 =	vld [tilespmem:s4+$0x16460]  }
0xb5: {  	s10 =	spop (v2sf);
	v48 =	vld [tilespmem:s4+$0x16470]  }
0xb6: {  	p0 =	sne.s32 s10, s9;
	v47 =	vld [tilespmem:s4+$0x16480]  }
.Ltmp7:
0xb7: {  	v46 =	vld [tilespmem:s4+$0x16490];
	(pc) =	sbr.rel @p0 .LBB2_11-.Ltmp7, $4  }
0xb8: {  	v45 =	vld [tilespmem:s4+$0x164A0]  }
0xb9: {  	v44 =	vld [tilespmem:s4+$0x164B0]  }
0xba: {  	v51 =	vld [tilespmem:s4+$0x164C0]  }
0xbb: {  	s10 =	sadd.s32 s0, s26;
	v50 =	vld [tilespmem:s4+$0x164D0]  }
0xbc: {  	s10 =	sshll.u32 s10, $0x2;
	s12 =	sshll.u32 s26, $0x9  }
0xbd: {  	s13 =	sshra.s32 s10, $0x2;
	s5 =	sshra.s32 s12, $0x2  }
0xbe: {  	s10 =	sadd.s32 $0xC8, s13;
	s12 =	sadd.s32 $0x31, s13;
	s13 =	sadd.s32 $0x2A0, s5  }
.LBB2_9:
0xbf: {  	v52 =	vld [tilespmem:s10+$0x0];
	_ =	sdelay $0x4  }
0xc0: {  	(v2sf) =	vpush v52, $0x0;
	_ =	sdelay $0xe  }
0xc1: {  	s5 =	spop (v2sf)  }
0xc2: {  	s3 =	sshll.u32 s26, $0x9;
	s5 =	sand.u32 $0x7F, s5  }
0xc3: {  	s3 =	sor.u32 s3, s5  }
0xc4: {  	v34 =	vmov s3;
	_ =	sdelay $0x1  }
0xc5: {  	v53 =	vor.u32 $0x80, v34;
	_ =	sdelay $0x1  }
0xc6: {  	v56 =	vld [tilespmem:s13+$0xFFFFFFC0];
	v54 =	vor.u32 $0x100, v34  }
0xc7: {  	v55 =	vld.idx.msk [tilespmem:v34+s25+$0x0], $0xffff  }
0xc8: {  	v57 =	vld [tilespmem:s13+$0xFFFFFFD0];
	v52 =	vor.u32 $0x180, v34  }
0xc9: {  	v53 =	vld.idx.msk [tilespmem:v53+s25+$0x0], $0xffff  }
0xca: {  	v61 =	vld [tilespmem:s12+$0x0]  }
0xcb: {  	v54 =	vld.idx.msk [tilespmem:v54+s25+$0x0], $0xffff  }
0xcc: {  	v58 =	vmul.f32 v55, v2  }
0xcd: {  	v52 =	vld.idx.msk [tilespmem:v52+s25+$0x0], $0xffff;
	v59 =	vmul.f32 v55, v3  }
0xce: {  	v60 =	vld [tilespmem:s13+$0xFFFFFFE0];
	v35 =	vmul.f32 v53, v10;
	v56 =	vadd.f32 v56, v58  }
0xcf: {  	v62 =	vld [tilespmem:s13+$0xFFFFFFF0];
	(v2sf) =	vpush v61, $0x0;
	v36 =	vmul.f32 v53, v11;
	v57 =	vadd.f32 v57, v59  }
0xd0: {  	v63 =	vmul.f32 v55, v4;
	v34 =	vmul.f32 v54, v18;
	v56 =	vadd.f32 v56, v35  }
0xd1: {  	v1 =	vmul.f32 v55, v5;
	v57 =	vadd.f32 v57, v36;
	v35 =	vmul.f32 v54, v19  }
0xd2: {  	v59 =	vmul.f32 v52, v27;
	v36 =	vmul.f32 v52, v26;
	v56 =	vadd.f32 v56, v34  }
0xd3: {  	v61 =	vld [tilespmem:s13+$0x10];
	v60 =	vadd.f32 v60, v63;
	v63 =	vmul.f32 v53, v12;
	v57 =	vadd.f32 v57, v35  }
0xd4: {  	v1 =	vadd.f32 v62, v1;
	v34 =	vld [tilespmem:s13+$0x0];
	v56 =	vadd.f32 v56, v36;
	v36 =	vmul.f32 v53, v13  }
0xd5: {  	v35 =	vmul.f32 v54, v20;
	v57 =	vadd.f32 v57, v59;
	v59 =	vadd.f32 v60, v63  }
0xd6: {  	v58 =	vmul.f32 v54, v21;
	v63 =	vmul.f32 v55, v7;
	v1 =	vadd.f32 v1, v36  }
0xd7: {  	v60 =	vmul.f32 v52, v28;
	v36 =	vmul.f32 v55, v6;
	v59 =	vadd.f32 v59, v35;
	v35 =	vld [tilespmem:s13+$0x20]  }
0xd8: {  	v62 =	vld [tilespmem:s13+$0x30];
	v61 =	vadd.f32 v61, v63;
	v1 =	vadd.f32 v1, v58;
	v58 =	vmul.f32 v52, v29  }
0xd9: {  	v63 =	vmul.f32 v53, v15;
	v34 =	vadd.f32 v34, v36;
	v36 =	vmul.f32 v53, v14  }
0xda: {  	v59 =	vadd.f32 v59, v60;
	v1 =	vadd.f32 v1, v58;
	v58 =	vmul.f32 v55, v8  }
0xdb: {  	v60 =	vmul.f32 v54, v22;
	v34 =	vadd.f32 v34, v36;
	v55 =	vmul.f32 v55, v9  }
0xdc: {  	v36 =	vadd.f32 v61, v63;
	v61 =	vmul.f32 v54, v23;
	v35 =	vadd.f32 v35, v58  }
0xdd: {  	s26 =	sadd.s32 $0x1, s26;
	v58 =	vmul.f32 v53, v16;
	v55 =	vadd.f32 v62, v55;
	v53 =	vmul.f32 v53, v17  }
0xde: {  	p0 =	sge.s32 s26, s16;
	s3 =	spop (v2sf);
	v63 =	vmul.f32 v52, v32;
	v34 =	vadd.f32 v34, v60;
	v60 =	vmul.f32 v54, v24  }
0xdf: {  	p1 =	seq.s32 @!p0 s3, s9;
	v54 =	vmul.f32 v54, v25;
	v35 =	vadd.f32 v35, v58;
	v53 =	vadd.f32 v55, v53  }
0xe0: {  	p1 =	por p0, !p1;
	v36 =	vadd.f32 v36, v61;
	v61 =	vmul.f32 v52, v30;
	v62 =	vmul.f32 v52, v31  }
.Ltmp8:
0xe1: {  	v52 =	vmul.f32 v52, v33;
	v35 =	vadd.f32 v35, v60;
	v53 =	vadd.f32 v53, v54;
	(pc) =	sbr.rel @!p1 .LBB2_9-.Ltmp8, $4  }
0xe2: {  	v49 =	vmax.f32 v49, v56;
	v34 =	vadd.f32 v34, v61;
	v36 =	vadd.f32 v36, v62  }
0xe3: {  	v48 =	vmax.f32 v48, v57;
	v35 =	vadd.f32 v35, v63;
	v52 =	vadd.f32 v53, v52  }
0xe4: {  	v47 =	vmax.f32 v47, v59;
	v46 =	vmax.f32 v46, v1;
	v45 =	vmax.f32 v45, v34  }
0xe5: {  	s10 =	sadd.s32 $0x1, s10;
	s12 =	sadd.s32 $0x1, s12;
	s13 =	sadd.s32 $0x80, s13;
	v44 =	vmax.f32 v44, v36;
	v51 =	vmax.f32 v51, v35;
	v50 =	vmax.f32 v50, v52  }
.Ltmp9:
0xe6: {  	(pc) =	sbr.rel .LBB2_11-.Ltmp9, $4  }
0xe7: {  	_ = 	snop  }
0xe8: {  	v49 =	vpsel p0, v49, v49;
	v48 =	vpsel p0, v48, v48  }
0xe9: {  	v47 =	vpsel p0, v47, v47;
	v46 =	vpsel p0, v46, v46;
	v45 =	vpsel p0, v45, v45  }
0xea: {  	s26 =	smov.u32 @p0 s26;
	v44 =	vpsel p0, v44, v44;
	v51 =	vpsel p0, v51, v51;
	v50 =	vpsel p0, v50, v50  }
.LBB2_13:
0xeb: {  	s0 =	simm.s32 $0x0  }
0xec: {  	s2 =	simm.s32 $0x40;
	v2 =	vld [tilespmem:s0+$0x14260]  }
.LBB2_14:
0xed: {  	p0 =	sne.s32 s2, $0x7FC0;
	v1 =	vld [tilespmem:s0+$0x16460];
	_ =	sdelay $0x4  }
.Ltmp10:
0xee: {  	v2 =	vadd.f32 v2, v1;
	(pc) =	sbr.rel @p0 .LBB2_14-.Ltmp10, $4  }
0xef: {  	_ = 	snop  }
0xf0: {  	vm0 =	veq.f32 v1, $-Inf;
	v2 =	vmax.f32 v2, $0.0e+00  }
0xf1: {  	s3 =	sshra.s32 s2, $0x2;
	v1 =	vsel vm0, $0xFF800000, v2  }
0xf2: {  	s2 =	sadd.s32 $0x40, s2;
	v2 =	vld [tilespmem:s3+$0x14260];
	[tilespmem:s0+$0x16460] =	vst v1;
	s0 =	smov.u32 s3  }
0xf3: {  	v1 =	vld [tilespmem:s0+$0x16460];
	_ =	sdelay $0x4  }
0xf4: {  	v2 =	vadd.f32 v2, v1;
	_ =	sdelay $0x1  }
0xf5: {  	vm0 =	veq.f32 v1, $-Inf;
	v2 =	vmax.f32 v2, $0.0e+00  }
0xf6: {  	v1 =	vsel vm0, $0xFF800000, v2  }
0xf7: {  	s12 =	simm.s32 $0x0;
	s30 =	rddreg [dreg:$0x8];
	s2 =	simm.s32 $0x16460;
	[tilespmem:s0+$0x16460] =	vst v1  }
0xf8: {  	[hbm4b:s30+s12] =	stream.linear.scatter [tilespmem:s2], [sflag:$0x3], $0x2000, $0x38;
	[tilespmem:$0x18460] =	vst v63  }
0xf9: {  	_ =	swait.ge [sflag:s14], $0x2000  }
0xfa: {  	s28 =	sadd.s32 $0x1, s28;
	s31 =	rddreg [dreg:$0x9]  }
0xfb: {  	p0 =	sne.s32 s28, s31  }
.Ltmp11:
0xfc: {  	_ = 	snop;
	(pc) =	sbr.rel @p0 .LBB2_1-.Ltmp11, $3  }
0xfd: {  	_ =	sdelay $0x1  }
0xfe: {  	[sflag:s14] =	ssyncset.done $0x0  }
0xff: {  	[sflag:s14] =	ssyncadd.s32 $0xFFFFE000  }
0x100: {  	_ =	sfence.sel $0x180000  }
0x101: {  	[bflag:$0x0] =	sbarrier.arrive $0xFFFF  }
0x102: {  	_ =	strace $0x90000047  }
0x103: {  	s0 =	stileid.u32;
	[bflag:$0x2] =	sbarrier.arrive $0xFFFF  }
0x104: {  	p0 =	sne.s32 s0, $0x0;
	s0 =	rddreg [dreg:$0x3]  }
0x105: {  	s0 =	sadd.s32 @!p0 $0x100000, s0  }
0x106: {  	[sflag:s0] =	ssyncadd.tile.s32 @!p0 $0x1;
	_ =	shalt  }
.Lfunc_end2:
_tile_overlayer_lowered:
.L_overlay_start_2:
0x107: {  	(tag) =	ssettag $0x2  }
0x108: {  	s0 =	rddreg [dreg:$0x0];
	s2 =	stileid.u32  }
0x109: {  	s1 =	rddreg [dreg:$0x1];
	p0 =	sne.s32 s2, $0x0  }
0x10a: {  	s3 =	rddreg [dreg:$0x2];
	[bflag:$0x3] =	sbarrier.arrive $0xFFFF;
	s2 =	simm.s32 @!p0 $0x1C03  }
0x10b: {  	[timem:s3], [sflag:s2] =	dma.local @!p0 [hbm:s0], s1  }
0x10c: {  	s0 =	simm.s32 @!p0 $0x3  }
0x10d: {  	_ =	swait.ge @!p0 [sflag:s0], s1  }
0x10e: {  	s1 =	ssub.s32 @!p0 $0x0, s1;
	[sflag:s0] =	ssyncset.done @!p0 $0x0  }
0x10f: {  	[sflag:s0] =	ssyncadd.s32 @!p0 s1  }
0x110: {  	[bflag:$0x3] =	sbarrier.arrive $0xFFFF  }
0x111: {  	_ =	shalt  }

</sc_bundles>
